<compile_context>
chip_gen: v7x
topology: tpu7x:2x2x1
jax: 0.10.2.dev20260603
libtpu: 0.0.44.dev20260713+nightly
codegen_flags: <defaults>
</compile_context>

<pallas_src>
import functools

import jax
import jax.numpy as jnp
from jax import lax
from jax.experimental import pallas as pl
from jax.experimental.pallas import tpu as pltpu
from jax.experimental.pallas import tpu_sc as plsc

N = 10000
NP = 10240
D = 256
H = 128
E = 160000
CH = 128
NSUB = 16
NCORE = 2
E_PAD = 163840
NCHUNK = E_PAD // CH
CPT = NCHUNK // NSUB
ROWS_PER_TILE = NP // NSUB


def _gin_aggregate(x2, src2d, dst2d):
    mesh = plsc.VectorSubcoreMesh(core_axis_name="c", subcore_axis_name="s")

    @functools.partial(
        pl.kernel,
        out_type=jax.ShapeDtypeStruct((NCORE, NP, H), jnp.float32),
        mesh=mesh,
        scratch_types=[
            pltpu.VMEM_SHARED((NP, H), jnp.float32),
            pltpu.VMEM((CPT, CH), jnp.int32),
            pltpu.VMEM((CH,), jnp.int32),
            pltpu.VMEM((CH,), jnp.int32),
            pltpu.VMEM((CH, H), jnp.float32),
            pltpu.VMEM((CH, H), jnp.float32),
            pltpu.SemaphoreType.DMA,
            pltpu.SemaphoreType.DMA,
            pltpu.SemaphoreType.DMA,
            pltpu.SemaphoreType.DMA,
        ],
        compiler_params=pltpu.CompilerParams(use_tc_tiling_on_sc=True),
    )
    def agg(x2_hbm, src_hbm, dst_hbm, out_hbm, acc, sidx, da, db,
            rows_a, rows_b, sem_ga, sem_gb, sem_ia, sem_ib):
        cid = lax.axis_index("c")
        wid = lax.axis_index("s")
        r0 = wid * ROWS_PER_TILE
        c0 = wid * CPT
        half = x2_hbm.at[cid]
        pltpu.sync_copy(src_hbm.at[pl.ds(c0, CPT)], sidx)
        pltpu.sync_copy(half.at[pl.ds(r0, ROWS_PER_TILE)],
                        acc.at[pl.ds(r0, ROWS_PER_TILE)])
        plsc.subcore_barrier()

        def wait_g(rows, sem):
            pltpu.make_async_copy(half.at[sidx.at[0]], rows, sem).wait()

        def wait_i(buf, sem):
            pltpu.make_async_copy(dst_hbm.at[0], buf, sem).wait()

        pltpu.async_copy(dst_hbm.at[c0], da, sem_ia)
        pltpu.async_copy(dst_hbm.at[c0 + 1], db, sem_ib)
        pltpu.async_copy(half.at[sidx.at[0]], rows_a, sem_ga)

        def body(j, carry):
            cb = 2 * j + 1
            na = jnp.minimum(2 * j + 2, CPT - 1)
            nb = jnp.minimum(2 * j + 3, CPT - 1)
            wait_g(rows_a, sem_ga)
            pltpu.async_copy(half.at[sidx.at[cb]], rows_b, sem_gb)
            wait_i(da, sem_ia)
            pltpu.sync_copy(rows_a, acc.at[da], add=True)
            pltpu.async_copy(dst_hbm.at[c0 + na], da, sem_ia)
            wait_g(rows_b, sem_gb)
            pltpu.async_copy(half.at[sidx.at[na]], rows_a, sem_ga)
            wait_i(db, sem_ib)
            pltpu.sync_copy(rows_b, acc.at[db], add=True)
            pltpu.async_copy(dst_hbm.at[c0 + nb], db, sem_ib)
            return carry

        lax.fori_loop(0, CPT // 2, body, 0)
        wait_g(rows_a, sem_ga)
        wait_i(da, sem_ia)
        wait_i(db, sem_ib)
        plsc.subcore_barrier()
        pltpu.sync_copy(acc.at[pl.ds(r0, ROWS_PER_TILE)],
                        out_hbm.at[cid, pl.ds(r0, ROWS_PER_TILE)])

    return agg(x2, src2d, dst2d)


BR = 1024


def _mlp_block(x2_ref, wa_ref, ba_ref, wb_ref, bb_ref, relu_out):
    xblk = jnp.concatenate([x2_ref[0], x2_ref[1]], axis=1)
    h = jnp.dot(xblk, wa_ref[...], preferred_element_type=jnp.float32)
    h = jnp.maximum(h + ba_ref[...], 0.0)
    h = jnp.dot(h, wb_ref[...], preferred_element_type=jnp.float32)
    h = h + bb_ref[...]
    if relu_out:
        h = jnp.maximum(h, 0.0)
    return h


def _mlp_split(x2, wa, ba, wb, bb):

    def body(x2_ref, wa_ref, ba_ref, wb_ref, bb_ref, o_ref):
        h = _mlp_block(x2_ref, wa_ref, ba_ref, wb_ref, bb_ref, True)
        o_ref[0] = h[:, :H]
        o_ref[1] = h[:, H:]

    return pl.pallas_call(
        body,
        grid=(NP // BR,),
        in_specs=[
            pl.BlockSpec((NCORE, BR, H), lambda i: (0, i, 0)),
            pl.BlockSpec((D, D), lambda i: (0, 0)),
            pl.BlockSpec((1, D), lambda i: (0, 0)),
            pl.BlockSpec((D, D), lambda i: (0, 0)),
            pl.BlockSpec((1, D), lambda i: (0, 0)),
        ],
        out_specs=pl.BlockSpec((NCORE, BR, H), lambda i: (0, i, 0)),
        out_shape=jax.ShapeDtypeStruct((NCORE, NP, H), jnp.float32),
    )(x2, wa, ba.reshape(1, D), wb, bb.reshape(1, D))


BRF = 1000


def _mlp_full(x2, wa, ba, wb, bb):

    def body(x2_ref, wa_ref, ba_ref, wb_ref, bb_ref, o_ref):
        o_ref[...] = _mlp_block(x2_ref, wa_ref, ba_ref, wb_ref, bb_ref, False)

    return pl.pallas_call(
        body,
        grid=(N // BRF,),
        in_specs=[
            pl.BlockSpec((NCORE, BRF, H), lambda i: (0, i, 0)),
            pl.BlockSpec((D, D), lambda i: (0, 0)),
            pl.BlockSpec((1, D), lambda i: (0, 0)),
            pl.BlockSpec((D, D), lambda i: (0, 0)),
            pl.BlockSpec((1, D), lambda i: (0, 0)),
        ],
        out_specs=pl.BlockSpec((BRF, D), lambda i: (i, 0)),
        out_shape=jax.ShapeDtypeStruct((N, D), jnp.float32),
    )(x2, wa, ba.reshape(1, D), wb, bb.reshape(1, D))


def kernel(x, edge_index, W1a, b1a, W1b, b1b, W2a, b2a, W2b, b2b):
    ei = edge_index.astype(jnp.int32)
    pad = E_PAD - E
    src2d = jnp.concatenate(
        [ei[0], jnp.zeros((pad,), jnp.int32)]).reshape(NCHUNK, CH)
    dst2d = jnp.concatenate(
        [ei[1], N + (jnp.arange(pad, dtype=jnp.int32) % 8)]).reshape(NCHUNK, CH)
    x2 = jnp.pad(x, ((0, NP - N), (0, 0))).reshape(NP, NCORE, H).transpose(1, 0, 2)

    g1 = _gin_aggregate(x2, src2d, dst2d)
    h1 = _mlp_split(g1, W1a, b1a, W1b, b1b)
    g2 = _gin_aggregate(h1, src2d, dst2d)
    return _mlp_full(g2, W2a, b2a, W2b, b2b)

# --- scband reference (transcript-rebuilt; emitter-appended) ---
"""Pipeline reference for scband-gin-9732395892852 (READ-ONLY COPY).

The authoritative reference and input builder live on the scoring server;
editing this copy changes nothing except your own understanding.
"""

import jax, jax.numpy as jnp
import numpy as np

N_NODES = 10000
N_EDGES = 160000
D_IN = 256
D_HID = 256


def _glorot(key, shape):
    fan_in, fan_out = shape[0], shape[1]
    limit = np.sqrt(6.0 / (fan_in + fan_out))
    return jax.random.uniform(key, shape, dtype=jnp.float32, minval=-limit, maxval=limit)


def setup_inputs(seed: int = 0) -> dict:
    key = jax.random.key(seed)
    ks = jax.random.split(key, 12)
    x = jax.random.normal(ks[0], (N_NODES, D_IN), dtype=jnp.float32)
    edge_index = jax.random.randint(ks[1], (2, N_EDGES), 0, N_NODES, dtype=jnp.int64)
    # GINConv1 MLP: Linear(D_IN, D_HID) -> ReLU -> Linear(D_HID, D_HID)
    W1a = _glorot(ks[2], (D_IN, D_HID))
    b1a = jnp.zeros((D_HID,), dtype=jnp.float32)
    W1b = _glorot(ks[3], (D_HID, D_HID))
    b1b = jnp.zeros((D_HID,), dtype=jnp.float32)
    # GINConv2 MLP: Linear(D_HID, D_HID) -> ReLU -> Linear(D_HID, D_HID)
    W2a = _glorot(ks[4], (D_HID, D_HID))
    b2a = jnp.zeros((D_HID,), dtype=jnp.float32)
    W2b = _glorot(ks[5], (D_HID, D_HID))
    b2b = jnp.zeros((D_HID,), dtype=jnp.float32)
    return {"x": x, "edge_index": edge_index,
            "W1a": W1a, "b1a": b1a, "W1b": W1b, "b1b": b1b,
            "W2a": W2a, "b2a": b2a, "W2b": W2b, "b2b": b2b}


def _gin_conv(x, edge_index, Wa, ba, Wb, bb, eps=0.0):
    src = edge_index[0]
    dst = edge_index[1]
    # sum aggregation of neighbor messages x_j at destination nodes (scatter-add)
    agg = jax.ops.segment_sum(x[src], dst, num_segments=x.shape[0])
    h = (1.0 + eps) * x + agg
    h = jnp.maximum(h @ Wa + ba, 0.0)
    h = h @ Wb + bb
    return h


def reference(x, edge_index, W1a, b1a, W1b, b1b, W2a, b2a, W2b, b2b):
    # encode(x, edge_index): x = relu(conv1(x, ei)); return conv2(x, ei)
    h = _gin_conv(x, edge_index, W1a, b1a, W1b, b1b)
    h = jnp.maximum(h, 0.0)
    out = _gin_conv(h, edge_index, W2a, b2a, W2b, b2b)
    return out

if __name__ == "__main__":
    import jax
    _d = setup_inputs()
    print(jax.jit(kernel)(*tuple(_d.values())))

</pallas_src>

<mosaic_0001>
#map = affine_map<(d0, d1) -> (0, 0, 0)>
#map1 = affine_map<(d0, d1) -> (0, 0)>
module attributes {stable_mosaic.version = 14 : i64} {
  func.func @agg(%arg0: i32, %arg1: i32, %arg2: memref<2x10240x128xf32, #tpu.memory_space<hbm>>, %arg3: memref<1280x128xi32, #tpu.memory_space<hbm>>, %arg4: memref<1280x128xi32, #tpu.memory_space<hbm>>, %arg5: memref<2x10240x128xf32, #tpu.memory_space<hbm>>, %arg6: memref<10240x128xf32, #tpu.memory_space<vmem_shared>>, %arg7: memref<80x128xi32, #tpu.memory_space<vmem>>, %arg8: memref<128xi32, #tpu.memory_space<vmem>>, %arg9: memref<128xi32, #tpu.memory_space<vmem>>, %arg10: memref<128x128xf32, #tpu.memory_space<vmem>>, %arg11: memref<128x128xf32, #tpu.memory_space<vmem>>, %arg12: memref<!tpu.dma_semaphore, #tpu.memory_space<semaphore_mem>>, %arg13: memref<!tpu.dma_semaphore, #tpu.memory_space<semaphore_mem>>, %arg14: memref<!tpu.dma_semaphore, #tpu.memory_space<semaphore_mem>>, %arg15: memref<!tpu.dma_semaphore, #tpu.memory_space<semaphore_mem>>) attributes {dimension_semantics = [#tpu.dimension_semantics<core_parallel>, #tpu.dimension_semantics<subcore_parallel>], iteration_bounds = array<i64: 2, 16>, scalar_prefetch = 0 : i64, scratch_operands = 10 : i64, tpu.core_type = #tpu.core_type<sc_vector_subcore>, window_params = [{transform_indices = #map}, {transform_indices = #map1}, {transform_indices = #map1}, {transform_indices = #map}]} {
    %mul3A = arith.constant 640 : i32
    %mul3A_0 = arith.muli %arg1, %mul3A : i32
    %mul3A_1 = arith.constant 80 : i32
    %mul3A_2 = arith.muli %arg1, %mul3A_1 : i32
    "tpu.region"() ({
      %run_scoped3A = tpu.sem_alloc : memref<!tpu.dma_semaphore, #tpu.memory_space<semaphore_mem>>
      %dma_start3A_56 = arith.constant 0 : i32
      %dma_start3A_57 = tpu.memref_slice %arg3[%mul3A_2, %dma_start3A_56] : memref<1280x128xi32, #tpu.memory_space<hbm>> -> memref<80x128xi32, #tpu.memory_space<hbm>>
      %dma_start3A_58 = arith.constant 0 : i32
      %dma_start3A_59 = tpu.memref_slice %arg3[%mul3A_2, %dma_start3A_58] : memref<1280x128xi32, #tpu.memory_space<hbm>> -> memref<80x128xi32, #tpu.memory_space<hbm>>
      tpu.enqueue_dma source(%dma_start3A_59 : memref<80x128xi32, #tpu.memory_space<hbm>>) target(%arg7 : memref<80x128xi32, #tpu.memory_space<vmem>>) target_semaphore(%run_scoped3A : memref<!tpu.dma_semaphore, #tpu.memory_space<semaphore_mem>>)
      %dma_wait3A_60 = arith.constant 0 : i32
      %dma_wait3A_61 = tpu.memref_slice %arg3[%mul3A_2, %dma_wait3A_60] : memref<1280x128xi32, #tpu.memory_space<hbm>> -> memref<80x128xi32, #tpu.memory_space<hbm>>
      %dma_wait3A_62 = arith.constant 0 : i32
      %dma_wait3A_63 = tpu.memref_slice %arg3[%mul3A_2, %dma_wait3A_62] : memref<1280x128xi32, #tpu.memory_space<hbm>> -> memref<80x128xi32, #tpu.memory_space<hbm>>
      tpu.wait_dma2 semaphore(%run_scoped3A : memref<!tpu.dma_semaphore, #tpu.memory_space<semaphore_mem>>) src(%dma_wait3A_63 : memref<80x128xi32, #tpu.memory_space<hbm>>) dst(%arg7 : memref<80x128xi32, #tpu.memory_space<vmem>>)
      tpu.yield
    }) : () -> ()
    "tpu.region"() ({
      %run_scoped3A = tpu.sem_alloc : memref<!tpu.dma_semaphore, #tpu.memory_space<semaphore_mem>>
      %dma_start3A_56 = arith.constant 0 : i32
      %dma_start3A_57 = tpu.memref_slice %arg6[%mul3A_0, %dma_start3A_56] : memref<10240x128xf32, #tpu.memory_space<vmem_shared>> -> memref<640x128xf32, #tpu.memory_space<vmem_shared>>
      %dma_start3A_58 = arith.constant 0 : i32
      %dma_start3A_59 = arith.constant 0 : i32
      %dma_start3A_60 = tpu.memref_slice %arg2[%arg0, %dma_start3A_58, %dma_start3A_59] : memref<2x10240x128xf32, #tpu.memory_space<hbm>> -> memref<1x10240x128xf32, #tpu.memory_space<hbm>>
      %dma_start3A_61 = tpu.memref_squeeze %dma_start3A_60 : memref<1x10240x128xf32, #tpu.memory_space<hbm>> -> memref<10240x128xf32, #tpu.memory_space<hbm>>
      %dma_start3A_62 = arith.constant 0 : i32
      %dma_start3A_63 = tpu.memref_slice %dma_start3A_61[%mul3A_0, %dma_start3A_62] : memref<10240x128xf32, #tpu.memory_space<hbm>> -> memref<640x128xf32, #tpu.memory_space<hbm>>
      tpu.enqueue_dma source(%dma_start3A_63 : memref<640x128xf32, #tpu.memory_space<hbm>>) target(%dma_start3A_57 : memref<640x128xf32, #tpu.memory_space<vmem_shared>>) target_semaphore(%run_scoped3A : memref<!tpu.dma_semaphore, #tpu.memory_space<semaphore_mem>>)
      %dma_wait3A_64 = arith.constant 0 : i32
      %dma_wait3A_65 = tpu.memref_slice %arg6[%mul3A_0, %dma_wait3A_64] : memref<10240x128xf32, #tpu.memory_space<vmem_shared>> -> memref<640x128xf32, #tpu.memory_space<vmem_shared>>
      %dma_wait3A_66 = arith.constant 0 : i32
      %dma_wait3A_67 = arith.constant 0 : i32
      %dma_wait3A_68 = tpu.memref_slice %arg2[%arg0, %dma_wait3A_66, %dma_wait3A_67] : memref<2x10240x128xf32, #tpu.memory_space<hbm>> -> memref<1x10240x128xf32, #tpu.memory_space<hbm>>
      %dma_wait3A_69 = tpu.memref_squeeze %dma_wait3A_68 : memref<1x10240x128xf32, #tpu.memory_space<hbm>> -> memref<10240x128xf32, #tpu.memory_space<hbm>>
      %dma_wait3A_70 = arith.constant 0 : i32
      %dma_wait3A_71 = tpu.memref_slice %dma_wait3A_69[%mul3A_0, %dma_wait3A_70] : memref<10240x128xf32, #tpu.memory_space<hbm>> -> memref<640x128xf32, #tpu.memory_space<hbm>>
      tpu.wait_dma2 semaphore(%run_scoped3A : memref<!tpu.dma_semaphore, #tpu.memory_space<semaphore_mem>>) src(%dma_wait3A_71 : memref<640x128xf32, #tpu.memory_space<hbm>>) dst(%dma_wait3A_65 : memref<640x128xf32, #tpu.memory_space<vmem_shared>>)
      tpu.yield
    }) : () -> ()
    %barrier3A = arith.constant 0 : index
    tpu.barrier barrier_id(%barrier3A)
    %dma_start3A = arith.constant 0 : i32
    %dma_start3A_3 = tpu.memref_slice %arg4[%mul3A_2, %dma_start3A] : memref<1280x128xi32, #tpu.memory_space<hbm>> -> memref<1x128xi32, #tpu.memory_space<hbm>>
    %dma_start3A_4 = tpu.memref_squeeze %dma_start3A_3 : memref<1x128xi32, #tpu.memory_space<hbm>> -> memref<128xi32, #tpu.memory_space<hbm>>
    %dma_start3A_5 = arith.constant 0 : i32
    %dma_start3A_6 = tpu.memref_slice %arg4[%mul3A_2, %dma_start3A_5] : memref<1280x128xi32, #tpu.memory_space<hbm>> -> memref<1x128xi32, #tpu.memory_space<hbm>>
    %dma_start3A_7 = tpu.memref_squeeze %dma_start3A_6 : memref<1x128xi32, #tpu.memory_space<hbm>> -> memref<128xi32, #tpu.memory_space<hbm>>
    tpu.enqueue_dma source(%dma_start3A_7 : memref<128xi32, #tpu.memory_space<hbm>>) target(%arg8 : memref<128xi32, #tpu.memory_space<vmem>>) target_semaphore(%arg14 : memref<!tpu.dma_semaphore, #tpu.memory_space<semaphore_mem>>)
    %add3A = arith.constant 1 : i32
    %add3A_8 = arith.addi %mul3A_2, %add3A : i32
    %dma_start3A_9 = arith.constant 0 : i32
    %dma_start3A_10 = tpu.memref_slice %arg4[%add3A_8, %dma_start3A_9] : memref<1280x128xi32, #tpu.memory_space<hbm>> -> memref<1x128xi32, #tpu.memory_space<hbm>>
    %dma_start3A_11 = tpu.memref_squeeze %dma_start3A_10 : memref<1x128xi32, #tpu.memory_space<hbm>> -> memref<128xi32, #tpu.memory_space<hbm>>
    %dma_start3A_12 = arith.constant 0 : i32
    %dma_start3A_13 = tpu.memref_slice %arg4[%add3A_8, %dma_start3A_12] : memref<1280x128xi32, #tpu.memory_space<hbm>> -> memref<1x128xi32, #tpu.memory_space<hbm>>
    %dma_start3A_14 = tpu.memref_squeeze %dma_start3A_13 : memref<1x128xi32, #tpu.memory_space<hbm>> -> memref<128xi32, #tpu.memory_space<hbm>>
    tpu.enqueue_dma source(%dma_start3A_14 : memref<128xi32, #tpu.memory_space<hbm>>) target(%arg9 : memref<128xi32, #tpu.memory_space<vmem>>) target_semaphore(%arg15 : memref<!tpu.dma_semaphore, #tpu.memory_space<semaphore_mem>>)
    %dma_start3A_15 = arith.constant 0 : i32
    %dma_start3A_16 = arith.constant 0 : i32
    %dma_start3A_17 = tpu.memref_slice %arg7[%dma_start3A_15, %dma_start3A_16] : memref<80x128xi32, #tpu.memory_space<vmem>> -> memref<1x128xi32, #tpu.memory_space<vmem>>
    %dma_start3A_18 = tpu.memref_squeeze %dma_start3A_17 : memref<1x128xi32, #tpu.memory_space<vmem>> -> memref<128xi32, #tpu.memory_space<vmem>>
    %dma_start3A_19 = arith.constant 0 : i32
    %dma_start3A_20 = arith.constant 0 : i32
    %dma_start3A_21 = tpu.memref_slice %arg2[%arg0, %dma_start3A_19, %dma_start3A_20] : memref<2x10240x128xf32, #tpu.memory_space<hbm>> -> memref<1x10240x128xf32, #tpu.memory_space<hbm>>
    %dma_start3A_22 = tpu.memref_squeeze %dma_start3A_21 : memref<1x10240x128xf32, #tpu.memory_space<hbm>> -> memref<10240x128xf32, #tpu.memory_space<hbm>>
    %dma_start3A_23 = arith.constant 0 : i32
    %dma_start3A_24 = arith.constant 0 : i32
    %dma_start3A_25 = tpu.memref_slice %dma_start3A_22[%dma_start3A_23, %dma_start3A_24] : memref<10240x128xf32, #tpu.memory_space<hbm>> -> memref<10240x128xf32, #tpu.memory_space<hbm>>
    tpu.enqueue_indirect_dma source(%dma_start3A_25 : memref<10240x128xf32, #tpu.memory_space<hbm>>) target(%arg10 : memref<128x128xf32, #tpu.memory_space<vmem>>) offsets(%dma_start3A_18 : memref<128xi32, #tpu.memory_space<vmem>>) semaphore(%arg12 : memref<!tpu.dma_semaphore, #tpu.memory_space<semaphore_mem>>)
    %scan3A = arith.constant 0 : i32
    %scan3A_26 = arith.constant 0 : i32
    %scan3A_27 = arith.constant 40 : i32
    %scan3A_28 = arith.addi %scan3A_26, %scan3A_27 : i32
    %scan3A_29 = arith.constant 1 : i32
    scf.for %scan3A_56 = %scan3A_26 to %scan3A_28 step %scan3A_29  : i32 {
      %mul3A_57 = arith.constant 2 : i32
      %mul3A_58 = arith.muli %mul3A_57, %scan3A_56 : i32
      %add3A_59 = arith.constant 1 : i32
      %add3A_60 = arith.addi %mul3A_58, %add3A_59 : i32
      %mul3A_61 = arith.constant 2 : i32
      %mul3A_62 = arith.muli %mul3A_61, %scan3A_56 : i32
      %add3A_63 = arith.constant 2 : i32
      %add3A_64 = arith.addi %mul3A_62, %add3A_63 : i32
      %min3A = arith.constant 79 : i32
      %min3A_65 = arith.minsi %add3A_64, %min3A : i32
      %mul3A_66 = arith.constant 2 : i32
      %mul3A_67 = arith.muli %mul3A_66, %scan3A_56 : i32
      %add3A_68 = arith.constant 3 : i32
      %add3A_69 = arith.addi %mul3A_67, %add3A_68 : i32
      %min3A_70 = arith.constant 79 : i32
      %min3A_71 = arith.minsi %add3A_69, %min3A_70 : i32
      %dma_wait3A_72 = arith.constant 0 : i32
      %dma_wait3A_73 = arith.constant 0 : i32
      %dma_wait3A_74 = tpu.memref_slice %arg7[%dma_wait3A_72, %dma_wait3A_73] : memref<80x128xi32, #tpu.memory_space<vmem>> -> memref<1x128xi32, #tpu.memory_space<vmem>>
      %dma_wait3A_75 = tpu.memref_squeeze %dma_wait3A_74 : memref<1x128xi32, #tpu.memory_space<vmem>> -> memref<128xi32, #tpu.memory_space<vmem>>
      %dma_wait3A_76 = arith.constant 0 : i32
      %dma_wait3A_77 = arith.constant 0 : i32
      %dma_wait3A_78 = tpu.memref_slice %arg2[%arg0, %dma_wait3A_76, %dma_wait3A_77] : memref<2x10240x128xf32, #tpu.memory_space<hbm>> -> memref<1x10240x128xf32, #tpu.memory_space<hbm>>
      %dma_wait3A_79 = tpu.memref_squeeze %dma_wait3A_78 : memref<1x10240x128xf32, #tpu.memory_space<hbm>> -> memref<10240x128xf32, #tpu.memory_space<hbm>>
      %dma_wait3A_80 = arith.constant 0 : i32
      %dma_wait3A_81 = arith.constant 0 : i32
      %dma_wait3A_82 = tpu.memref_slice %dma_wait3A_79[%dma_wait3A_80, %dma_wait3A_81] : memref<10240x128xf32, #tpu.memory_space<hbm>> -> memref<10240x128xf32, #tpu.memory_space<hbm>>
      tpu.wait_indirect_dma semaphore(%arg12 : memref<!tpu.dma_semaphore, #tpu.memory_space<semaphore_mem>>) src(%dma_wait3A_82 : memref<10240x128xf32, #tpu.memory_space<hbm>>) dst(%arg10 : memref<128x128xf32, #tpu.memory_space<vmem>>)
      %dma_start3A_83 = arith.constant 0 : i32
      %dma_start3A_84 = tpu.memref_slice %arg7[%add3A_60, %dma_start3A_83] : memref<80x128xi32, #tpu.memory_space<vmem>> -> memref<1x128xi32, #tpu.memory_space<vmem>>
      %dma_start3A_85 = tpu.memref_squeeze %dma_start3A_84 : memref<1x128xi32, #tpu.memory_space<vmem>> -> memref<128xi32, #tpu.memory_space<vmem>>
      %dma_start3A_86 = arith.constant 0 : i32
      %dma_start3A_87 = arith.constant 0 : i32
      %dma_start3A_88 = tpu.memref_slice %arg2[%arg0, %dma_start3A_86, %dma_start3A_87] : memref<2x10240x128xf32, #tpu.memory_space<hbm>> -> memref<1x10240x128xf32, #tpu.memory_space<hbm>>
      %dma_start3A_89 = tpu.memref_squeeze %dma_start3A_88 : memref<1x10240x128xf32, #tpu.memory_space<hbm>> -> memref<10240x128xf32, #tpu.memory_space<hbm>>
      %dma_start3A_90 = arith.constant 0 : i32
      %dma_start3A_91 = arith.constant 0 : i32
      %dma_start3A_92 = tpu.memref_slice %dma_start3A_89[%dma_start3A_90, %dma_start3A_91] : memref<10240x128xf32, #tpu.memory_space<hbm>> -> memref<10240x128xf32, #tpu.memory_space<hbm>>
      tpu.enqueue_indirect_dma source(%dma_start3A_92 : memref<10240x128xf32, #tpu.memory_space<hbm>>) target(%arg11 : memref<128x128xf32, #tpu.memory_space<vmem>>) offsets(%dma_start3A_85 : memref<128xi32, #tpu.memory_space<vmem>>) semaphore(%arg13 : memref<!tpu.dma_semaphore, #tpu.memory_space<semaphore_mem>>)
      %dma_wait3A_93 = arith.constant 0 : i32
      %dma_wait3A_94 = arith.constant 0 : i32
      %dma_wait3A_95 = tpu.memref_slice %arg4[%dma_wait3A_93, %dma_wait3A_94] : memref<1280x128xi32, #tpu.memory_space<hbm>> -> memref<1x128xi32, #tpu.memory_space<hbm>>
      %dma_wait3A_96 = tpu.memref_squeeze %dma_wait3A_95 : memref<1x128xi32, #tpu.memory_space<hbm>> -> memref<128xi32, #tpu.memory_space<hbm>>
      %dma_wait3A_97 = arith.constant 0 : i32
      %dma_wait3A_98 = tpu.memref_slice %arg4[%dma_wait3A_93, %dma_wait3A_97] : memref<1280x128xi32, #tpu.memory_space<hbm>> -> memref<1x128xi32, #tpu.memory_space<hbm>>
      %dma_wait3A_99 = tpu.memref_squeeze %dma_wait3A_98 : memref<1x128xi32, #tpu.memory_space<hbm>> -> memref<128xi32, #tpu.memory_space<hbm>>
      tpu.wait_dma2 semaphore(%arg14 : memref<!tpu.dma_semaphore, #tpu.memory_space<semaphore_mem>>) src(%dma_wait3A_99 : memref<128xi32, #tpu.memory_space<hbm>>) dst(%arg8 : memref<128xi32, #tpu.memory_space<vmem>>)
      "tpu.region"() ({
        %run_scoped3A = tpu.sem_alloc : memref<!tpu.dma_semaphore, #tpu.memory_space<semaphore_mem>>
        %dma_start3A_142 = arith.constant 0 : i32
        %dma_start3A_143 = arith.constant 0 : i32
        %dma_start3A_144 = tpu.memref_slice %arg6[%dma_start3A_142, %dma_start3A_143] : memref<10240x128xf32, #tpu.memory_space<vmem_shared>> -> memref<10240x128xf32, #tpu.memory_space<vmem_shared>>
        tpu.enqueue_indirect_dma source(%arg10 : memref<128x128xf32, #tpu.memory_space<vmem>>) target(%dma_start3A_144 : memref<10240x128xf32, #tpu.memory_space<vmem_shared>>) offsets(%arg8 : memref<128xi32, #tpu.memory_space<vmem>>) semaphore(%run_scoped3A : memref<!tpu.dma_semaphore, #tpu.memory_space<semaphore_mem>>) {add = true}
        %dma_wait3A_145 = arith.constant 0 : i32
        %dma_wait3A_146 = arith.constant 0 : i32
        %dma_wait3A_147 = tpu.memref_slice %arg6[%dma_wait3A_145, %dma_wait3A_146] : memref<10240x128xf32, #tpu.memory_space<vmem_shared>> -> memref<10240x128xf32, #tpu.memory_space<vmem_shared>>
        tpu.wait_indirect_dma semaphore(%run_scoped3A : memref<!tpu.dma_semaphore, #tpu.memory_space<semaphore_mem>>) src(%arg10 : memref<128x128xf32, #tpu.memory_space<vmem>>) dst(%dma_wait3A_147 : memref<10240x128xf32, #tpu.memory_space<vmem_shared>>)
        tpu.yield
      }) : () -> ()
      %add3A_100 = arith.addi %mul3A_2, %min3A_65 : i32
      %dma_start3A_101 = arith.constant 0 : i32
      %dma_start3A_102 = tpu.memref_slice %arg4[%add3A_100, %dma_start3A_101] : memref<1280x128xi32, #tpu.memory_space<hbm>> -> memref<1x128xi32, #tpu.memory_space<hbm>>
      %dma_start3A_103 = tpu.memref_squeeze %dma_start3A_102 : memref<1x128xi32, #tpu.memory_space<hbm>> -> memref<128xi32, #tpu.memory_space<hbm>>
      %dma_start3A_104 = arith.constant 0 : i32
      %dma_start3A_105 = tpu.memref_slice %arg4[%add3A_100, %dma_start3A_104] : memref<1280x128xi32, #tpu.memory_space<hbm>> -> memref<1x128xi32, #tpu.memory_space<hbm>>
      %dma_start3A_106 = tpu.memref_squeeze %dma_start3A_105 : memref<1x128xi32, #tpu.memory_space<hbm>> -> memref<128xi32, #tpu.memory_space<hbm>>
      tpu.enqueue_dma source(%dma_start3A_106 : memref<128xi32, #tpu.memory_space<hbm>>) target(%arg8 : memref<128xi32, #tpu.memory_space<vmem>>) target_semaphore(%arg14 : memref<!tpu.dma_semaphore, #tpu.memory_space<semaphore_mem>>)
      %dma_wait3A_107 = arith.constant 0 : i32
      %dma_wait3A_108 = arith.constant 0 : i32
      %dma_wait3A_109 = tpu.memref_slice %arg7[%dma_wait3A_107, %dma_wait3A_108] : memref<80x128xi32, #tpu.memory_space<vmem>> -> memref<1x128xi32, #tpu.memory_space<vmem>>
      %dma_wait3A_110 = tpu.memref_squeeze %dma_wait3A_109 : memref<1x128xi32, #tpu.memory_space<vmem>> -> memref<128xi32, #tpu.memory_space<vmem>>
      %dma_wait3A_111 = arith.constant 0 : i32
      %dma_wait3A_112 = arith.constant 0 : i32
      %dma_wait3A_113 = tpu.memref_slice %arg2[%arg0, %dma_wait3A_111, %dma_wait3A_112] : memref<2x10240x128xf32, #tpu.memory_space<hbm>> -> memref<1x10240x128xf32, #tpu.memory_space<hbm>>
      %dma_wait3A_114 = tpu.memref_squeeze %dma_wait3A_113 : memref<1x10240x128xf32, #tpu.memory_space<hbm>> -> memref<10240x128xf32, #tpu.memory_space<hbm>>
      %dma_wait3A_115 = arith.constant 0 : i32
      %dma_wait3A_116 = arith.constant 0 : i32
      %dma_wait3A_117 = tpu.memref_slice %dma_wait3A_114[%dma_wait3A_115, %dma_wait3A_116] : memref<10240x128xf32, #tpu.memory_space<hbm>> -> memref<10240x128xf32, #tpu.memory_space<hbm>>
      tpu.wait_indirect_dma semaphore(%arg13 : memref<!tpu.dma_semaphore, #tpu.memory_space<semaphore_mem>>) src(%dma_wait3A_117 : memref<10240x128xf32, #tpu.memory_space<hbm>>) dst(%arg11 : memref<128x128xf32, #tpu.memory_space<vmem>>)
      %dma_start3A_118 = arith.constant 0 : i32
      %dma_start3A_119 = tpu.memref_slice %arg7[%min3A_65, %dma_start3A_118] : memref<80x128xi32, #tpu.memory_space<vmem>> -> memref<1x128xi32, #tpu.memory_space<vmem>>
      %dma_start3A_120 = tpu.memref_squeeze %dma_start3A_119 : memref<1x128xi32, #tpu.memory_space<vmem>> -> memref<128xi32, #tpu.memory_space<vmem>>
      %dma_start3A_121 = arith.constant 0 : i32
      %dma_start3A_122 = arith.constant 0 : i32
      %dma_start3A_123 = tpu.memref_slice %arg2[%arg0, %dma_start3A_121, %dma_start3A_122] : memref<2x10240x128xf32, #tpu.memory_space<hbm>> -> memref<1x10240x128xf32, #tpu.memory_space<hbm>>
      %dma_start3A_124 = tpu.memref_squeeze %dma_start3A_123 : memref<1x10240x128xf32, #tpu.memory_space<hbm>> -> memref<10240x128xf32, #tpu.memory_space<hbm>>
      %dma_start3A_125 = arith.constant 0 : i32
      %dma_start3A_126 = arith.constant 0 : i32
      %dma_start3A_127 = tpu.memref_slice %dma_start3A_124[%dma_start3A_125, %dma_start3A_126] : memref<10240x128xf32, #tpu.memory_space<hbm>> -> memref<10240x128xf32, #tpu.memory_space<hbm>>
      tpu.enqueue_indirect_dma source(%dma_start3A_127 : memref<10240x128xf32, #tpu.memory_space<hbm>>) target(%arg10 : memref<128x128xf32, #tpu.memory_space<vmem>>) offsets(%dma_start3A_120 : memref<128xi32, #tpu.memory_space<vmem>>) semaphore(%arg12 : memref<!tpu.dma_semaphore, #tpu.memory_space<semaphore_mem>>)
      %dma_wait3A_128 = arith.constant 0 : i32
      %dma_wait3A_129 = arith.constant 0 : i32
      %dma_wait3A_130 = tpu.memref_slice %arg4[%dma_wait3A_128, %dma_wait3A_129] : memref<1280x128xi32, #tpu.memory_space<hbm>> -> memref<1x128xi32, #tpu.memory_space<hbm>>
      %dma_wait3A_131 = tpu.memref_squeeze %dma_wait3A_130 : memref<1x128xi32, #tpu.memory_space<hbm>> -> memref<128xi32, #tpu.memory_space<hbm>>
      %dma_wait3A_132 = arith.constant 0 : i32
      %dma_wait3A_133 = tpu.memref_slice %arg4[%dma_wait3A_128, %dma_wait3A_132] : memref<1280x128xi32, #tpu.memory_space<hbm>> -> memref<1x128xi32, #tpu.memory_space<hbm>>
      %dma_wait3A_134 = tpu.memref_squeeze %dma_wait3A_133 : memref<1x128xi32, #tpu.memory_space<hbm>> -> memref<128xi32, #tpu.memory_space<hbm>>
      tpu.wait_dma2 semaphore(%arg15 : memref<!tpu.dma_semaphore, #tpu.memory_space<semaphore_mem>>) src(%dma_wait3A_134 : memref<128xi32, #tpu.memory_space<hbm>>) dst(%arg9 : memref<128xi32, #tpu.memory_space<vmem>>)
      "tpu.region"() ({
        %run_scoped3A = tpu.sem_alloc : memref<!tpu.dma_semaphore, #tpu.memory_space<semaphore_mem>>
        %dma_start3A_142 = arith.constant 0 : i32
        %dma_start3A_143 = arith.constant 0 : i32
        %dma_start3A_144 = tpu.memref_slice %arg6[%dma_start3A_142, %dma_start3A_143] : memref<10240x128xf32, #tpu.memory_space<vmem_shared>> -> memref<10240x128xf32, #tpu.memory_space<vmem_shared>>
        tpu.enqueue_indirect_dma source(%arg11 : memref<128x128xf32, #tpu.memory_space<vmem>>) target(%dma_start3A_144 : memref<10240x128xf32, #tpu.memory_space<vmem_shared>>) offsets(%arg9 : memref<128xi32, #tpu.memory_space<vmem>>) semaphore(%run_scoped3A : memref<!tpu.dma_semaphore, #tpu.memory_space<semaphore_mem>>) {add = true}
        %dma_wait3A_145 = arith.constant 0 : i32
        %dma_wait3A_146 = arith.constant 0 : i32
        %dma_wait3A_147 = tpu.memref_slice %arg6[%dma_wait3A_145, %dma_wait3A_146] : memref<10240x128xf32, #tpu.memory_space<vmem_shared>> -> memref<10240x128xf32, #tpu.memory_space<vmem_shared>>
        tpu.wait_indirect_dma semaphore(%run_scoped3A : memref<!tpu.dma_semaphore, #tpu.memory_space<semaphore_mem>>) src(%arg11 : memref<128x128xf32, #tpu.memory_space<vmem>>) dst(%dma_wait3A_147 : memref<10240x128xf32, #tpu.memory_space<vmem_shared>>)
        tpu.yield
      }) : () -> ()
      %add3A_135 = arith.addi %mul3A_2, %min3A_71 : i32
      %dma_start3A_136 = arith.constant 0 : i32
      %dma_start3A_137 = tpu.memref_slice %arg4[%add3A_135, %dma_start3A_136] : memref<1280x128xi32, #tpu.memory_space<hbm>> -> memref<1x128xi32, #tpu.memory_space<hbm>>
      %dma_start3A_138 = tpu.memref_squeeze %dma_start3A_137 : memref<1x128xi32, #tpu.memory_space<hbm>> -> memref<128xi32, #tpu.memory_space<hbm>>
      %dma_start3A_139 = arith.constant 0 : i32
      %dma_start3A_140 = tpu.memref_slice %arg4[%add3A_135, %dma_start3A_139] : memref<1280x128xi32, #tpu.memory_space<hbm>> -> memref<1x128xi32, #tpu.memory_space<hbm>>
      %dma_start3A_141 = tpu.memref_squeeze %dma_start3A_140 : memref<1x128xi32, #tpu.memory_space<hbm>> -> memref<128xi32, #tpu.memory_space<hbm>>
      tpu.enqueue_dma source(%dma_start3A_141 : memref<128xi32, #tpu.memory_space<hbm>>) target(%arg9 : memref<128xi32, #tpu.memory_space<vmem>>) target_semaphore(%arg15 : memref<!tpu.dma_semaphore, #tpu.memory_space<semaphore_mem>>)
    }
    %scan3A_30 = arith.constant 40 : i32
    %dma_wait3A = arith.constant 0 : i32
    %dma_wait3A_31 = arith.constant 0 : i32
    %dma_wait3A_32 = tpu.memref_slice %arg7[%dma_wait3A, %dma_wait3A_31] : memref<80x128xi32, #tpu.memory_space<vmem>> -> memref<1x128xi32, #tpu.memory_space<vmem>>
    %dma_wait3A_33 = tpu.memref_squeeze %dma_wait3A_32 : memref<1x128xi32, #tpu.memory_space<vmem>> -> memref<128xi32, #tpu.memory_space<vmem>>
    %dma_wait3A_34 = arith.constant 0 : i32
    %dma_wait3A_35 = arith.constant 0 : i32
    %dma_wait3A_36 = tpu.memref_slice %arg2[%arg0, %dma_wait3A_34, %dma_wait3A_35] : memref<2x10240x128xf32, #tpu.memory_space<hbm>> -> memref<1x10240x128xf32, #tpu.memory_space<hbm>>
    %dma_wait3A_37 = tpu.memref_squeeze %dma_wait3A_36 : memref<1x10240x128xf32, #tpu.memory_space<hbm>> -> memref<10240x128xf32, #tpu.memory_space<hbm>>
    %dma_wait3A_38 = arith.constant 0 : i32
    %dma_wait3A_39 = arith.constant 0 : i32
    %dma_wait3A_40 = tpu.memref_slice %dma_wait3A_37[%dma_wait3A_38, %dma_wait3A_39] : memref<10240x128xf32, #tpu.memory_space<hbm>> -> memref<10240x128xf32, #tpu.memory_space<hbm>>
    tpu.wait_indirect_dma semaphore(%arg12 : memref<!tpu.dma_semaphore, #tpu.memory_space<semaphore_mem>>) src(%dma_wait3A_40 : memref<10240x128xf32, #tpu.memory_space<hbm>>) dst(%arg10 : memref<128x128xf32, #tpu.memory_space<vmem>>)
    %dma_wait3A_41 = arith.constant 0 : i32
    %dma_wait3A_42 = arith.constant 0 : i32
    %dma_wait3A_43 = tpu.memref_slice %arg4[%dma_wait3A_41, %dma_wait3A_42] : memref<1280x128xi32, #tpu.memory_space<hbm>> -> memref<1x128xi32, #tpu.memory_space<hbm>>
    %dma_wait3A_44 = tpu.memref_squeeze %dma_wait3A_43 : memref<1x128xi32, #tpu.memory_space<hbm>> -> memref<128xi32, #tpu.memory_space<hbm>>
    %dma_wait3A_45 = arith.constant 0 : i32
    %dma_wait3A_46 = tpu.memref_slice %arg4[%dma_wait3A_41, %dma_wait3A_45] : memref<1280x128xi32, #tpu.memory_space<hbm>> -> memref<1x128xi32, #tpu.memory_space<hbm>>
    %dma_wait3A_47 = tpu.memref_squeeze %dma_wait3A_46 : memref<1x128xi32, #tpu.memory_space<hbm>> -> memref<128xi32, #tpu.memory_space<hbm>>
    tpu.wait_dma2 semaphore(%arg14 : memref<!tpu.dma_semaphore, #tpu.memory_space<semaphore_mem>>) src(%dma_wait3A_47 : memref<128xi32, #tpu.memory_space<hbm>>) dst(%arg8 : memref<128xi32, #tpu.memory_space<vmem>>)
    %dma_wait3A_48 = arith.constant 0 : i32
    %dma_wait3A_49 = arith.constant 0 : i32
    %dma_wait3A_50 = tpu.memref_slice %arg4[%dma_wait3A_48, %dma_wait3A_49] : memref<1280x128xi32, #tpu.memory_space<hbm>> -> memref<1x128xi32, #tpu.memory_space<hbm>>
    %dma_wait3A_51 = tpu.memref_squeeze %dma_wait3A_50 : memref<1x128xi32, #tpu.memory_space<hbm>> -> memref<128xi32, #tpu.memory_space<hbm>>
    %dma_wait3A_52 = arith.constant 0 : i32
    %dma_wait3A_53 = tpu.memref_slice %arg4[%dma_wait3A_48, %dma_wait3A_52] : memref<1280x128xi32, #tpu.memory_space<hbm>> -> memref<1x128xi32, #tpu.memory_space<hbm>>
    %dma_wait3A_54 = tpu.memref_squeeze %dma_wait3A_53 : memref<1x128xi32, #tpu.memory_space<hbm>> -> memref<128xi32, #tpu.memory_space<hbm>>
    tpu.wait_dma2 semaphore(%arg15 : memref<!tpu.dma_semaphore, #tpu.memory_space<semaphore_mem>>) src(%dma_wait3A_54 : memref<128xi32, #tpu.memory_space<hbm>>) dst(%arg9 : memref<128xi32, #tpu.memory_space<vmem>>)
    %barrier3A_55 = arith.constant 0 : index
    tpu.barrier barrier_id(%barrier3A_55)
    "tpu.region"() ({
      %run_scoped3A = tpu.sem_alloc : memref<!tpu.dma_semaphore, #tpu.memory_space<semaphore_mem>>
      %dma_start3A_56 = arith.constant 0 : i32
      %dma_start3A_57 = tpu.memref_slice %arg5[%arg0, %mul3A_0, %dma_start3A_56] : memref<2x10240x128xf32, #tpu.memory_space<hbm>> -> memref<1x640x128xf32, #tpu.memory_space<hbm>>
      %dma_start3A_58 = tpu.memref_squeeze %dma_start3A_57 : memref<1x640x128xf32, #tpu.memory_space<hbm>> -> memref<640x128xf32, #tpu.memory_space<hbm>>
      %dma_start3A_59 = arith.constant 0 : i32
      %dma_start3A_60 = tpu.memref_slice %arg6[%mul3A_0, %dma_start3A_59] : memref<10240x128xf32, #tpu.memory_space<vmem_shared>> -> memref<640x128xf32, #tpu.memory_space<vmem_shared>>
      tpu.enqueue_dma source(%dma_start3A_60 : memref<640x128xf32, #tpu.memory_space<vmem_shared>>) target(%dma_start3A_58 : memref<640x128xf32, #tpu.memory_space<hbm>>) target_semaphore(%run_scoped3A : memref<!tpu.dma_semaphore, #tpu.memory_space<semaphore_mem>>)
      %dma_wait3A_61 = arith.constant 0 : i32
      %dma_wait3A_62 = tpu.memref_slice %arg5[%arg0, %mul3A_0, %dma_wait3A_61] : memref<2x10240x128xf32, #tpu.memory_space<hbm>> -> memref<1x640x128xf32, #tpu.memory_space<hbm>>
      %dma_wait3A_63 = tpu.memref_squeeze %dma_wait3A_62 : memref<1x640x128xf32, #tpu.memory_space<hbm>> -> memref<640x128xf32, #tpu.memory_space<hbm>>
      %dma_wait3A_64 = arith.constant 0 : i32
      %dma_wait3A_65 = tpu.memref_slice %arg6[%mul3A_0, %dma_wait3A_64] : memref<10240x128xf32, #tpu.memory_space<vmem_shared>> -> memref<640x128xf32, #tpu.memory_space<vmem_shared>>
      tpu.wait_dma2 semaphore(%run_scoped3A : memref<!tpu.dma_semaphore, #tpu.memory_space<semaphore_mem>>) src(%dma_wait3A_65 : memref<640x128xf32, #tpu.memory_space<vmem_shared>>) dst(%dma_wait3A_63 : memref<640x128xf32, #tpu.memory_space<hbm>>)
      tpu.yield
    }) : () -> ()
    return
  }
}

#map = affine_map<(d0, d1) -> (0, 0, 0)>
#map1 = affine_map<(d0, d1) -> (0, 0)>
module attributes {stable_mosaic.version = 14 : i64} {
  func.func @agg(%arg0: i32, %arg1: i32, %arg2: memref<2x10240x128xf32, #tpu.memory_space<hbm>>, %arg3: memref<1280x128xi32, #tpu.memory_space<hbm>>, %arg4: memref<1280x128xi32, #tpu.memory_space<hbm>>, %arg5: memref<2x10240x128xf32, #tpu.memory_space<hbm>>, %arg6: memref<10240x128xf32, #tpu.memory_space<vmem_shared>>, %arg7: memref<80x128xi32, #tpu.memory_space<vmem>>, %arg8: memref<128xi32, #tpu.memory_space<vmem>>, %arg9: memref<128xi32, #tpu.memory_space<vmem>>, %arg10: memref<128x128xf32, #tpu.memory_space<vmem>>, %arg11: memref<128x128xf32, #tpu.memory_space<vmem>>, %arg12: memref<!tpu.dma_semaphore, #tpu.memory_space<semaphore_mem>>, %arg13: memref<!tpu.dma_semaphore, #tpu.memory_space<semaphore_mem>>, %arg14: memref<!tpu.dma_semaphore, #tpu.memory_space<semaphore_mem>>, %arg15: memref<!tpu.dma_semaphore, #tpu.memory_space<semaphore_mem>>) attributes {dimension_semantics = [#tpu.dimension_semantics<core_parallel>, #tpu.dimension_semantics<subcore_parallel>], iteration_bounds = array<i64: 2, 16>, scalar_prefetch = 0 : i64, scratch_operands = 10 : i64, tpu.core_type = #tpu.core_type<sc_vector_subcore>, window_params = [{transform_indices = #map}, {transform_indices = #map1}, {transform_indices = #map1}, {transform_indices = #map}]} {
    %mul3A = arith.constant 640 : i32
    %mul3A_0 = arith.muli %arg1, %mul3A : i32
    %mul3A_1 = arith.constant 80 : i32
    %mul3A_2 = arith.muli %arg1, %mul3A_1 : i32
    "tpu.region"() ({
      %run_scoped3A = tpu.sem_alloc : memref<!tpu.dma_semaphore, #tpu.memory_space<semaphore_mem>>
      %dma_start3A_56 = arith.constant 0 : i32
      %dma_start3A_57 = tpu.memref_slice %arg3[%mul3A_2, %dma_start3A_56] : memref<1280x128xi32, #tpu.memory_space<hbm>> -> memref<80x128xi32, #tpu.memory_space<hbm>>
      %dma_start3A_58 = arith.constant 0 : i32
      %dma_start3A_59 = tpu.memref_slice %arg3[%mul3A_2, %dma_start3A_58] : memref<1280x128xi32, #tpu.memory_space<hbm>> -> memref<80x128xi32, #tpu.memory_space<hbm>>
      tpu.enqueue_dma source(%dma_start3A_59 : memref<80x128xi32, #tpu.memory_space<hbm>>) target(%arg7 : memref<80x128xi32, #tpu.memory_space<vmem>>) target_semaphore(%run_scoped3A : memref<!tpu.dma_semaphore, #tpu.memory_space<semaphore_mem>>)
      %dma_wait3A_60 = arith.constant 0 : i32
      %dma_wait3A_61 = tpu.memref_slice %arg3[%mul3A_2, %dma_wait3A_60] : memref<1280x128xi32, #tpu.memory_space<hbm>> -> memref<80x128xi32, #tpu.memory_space<hbm>>
      %dma_wait3A_62 = arith.constant 0 : i32
      %dma_wait3A_63 = tpu.memref_slice %arg3[%mul3A_2, %dma_wait3A_62] : memref<1280x128xi32, #tpu.memory_space<hbm>> -> memref<80x128xi32, #tpu.memory_space<hbm>>
      tpu.wait_dma2 semaphore(%run_scoped3A : memref<!tpu.dma_semaphore, #tpu.memory_space<semaphore_mem>>) src(%dma_wait3A_63 : memref<80x128xi32, #tpu.memory_space<hbm>>) dst(%arg7 : memref<80x128xi32, #tpu.memory_space<vmem>>)
      tpu.yield
    }) : () -> ()
    "tpu.region"() ({
      %run_scoped3A = tpu.sem_alloc : memref<!tpu.dma_semaphore, #tpu.memory_space<semaphore_mem>>
      %dma_start3A_56 = arith.constant 0 : i32
      %dma_start3A_57 = tpu.memref_slice %arg6[%mul3A_0, %dma_start3A_56] : memref<10240x128xf32, #tpu.memory_space<vmem_shared>> -> memref<640x128xf32, #tpu.memory_space<vmem_shared>>
      %dma_start3A_58 = arith.constant 0 : i32
      %dma_start3A_59 = arith.constant 0 : i32
      %dma_start3A_60 = tpu.memref_slice %arg2[%arg0, %dma_start3A_58, %dma_start3A_59] : memref<2x10240x128xf32, #tpu.memory_space<hbm>> -> memref<1x10240x128xf32, #tpu.memory_space<hbm>>
      %dma_start3A_61 = tpu.memref_squeeze %dma_start3A_60 : memref<1x10240x128xf32, #tpu.memory_space<hbm>> -> memref<10240x128xf32, #tpu.memory_space<hbm>>
      %dma_start3A_62 = arith.constant 0 : i32
      %dma_start3A_63 = tpu.memref_slice %dma_start3A_61[%mul3A_0, %dma_start3A_62] : memref<10240x128xf32, #tpu.memory_space<hbm>> -> memref<640x128xf32, #tpu.memory_space<hbm>>
      tpu.enqueue_dma source(%dma_start3A_63 : memref<640x128xf32, #tpu.memory_space<hbm>>) target(%dma_start3A_57 : memref<640x128xf32, #tpu.memory_space<vmem_shared>>) target_semaphore(%run_scoped3A : memref<!tpu.dma_semaphore, #tpu.memory_space<semaphore_mem>>)
      %dma_wait3A_64 = arith.constant 0 : i32
      %dma_wait3A_65 = tpu.memref_slice %arg6[%mul3A_0, %dma_wait3A_64] : memref<10240x128xf32, #tpu.memory_space<vmem_shared>> -> memref<640x128xf32, #tpu.memory_space<vmem_shared>>
      %dma_wait3A_66 = arith.constant 0 : i32
      %dma_wait3A_67 = arith.constant 0 : i32
      %dma_wait3A_68 = tpu.memref_slice %arg2[%arg0, %dma_wait3A_66, %dma_wait3A_67] : memref<2x10240x128xf32, #tpu.memory_space<hbm>> -> memref<1x10240x128xf32, #tpu.memory_space<hbm>>
      %dma_wait3A_69 = tpu.memref_squeeze %dma_wait3A_68 : memref<1x10240x128xf32, #tpu.memory_space<hbm>> -> memref<10240x128xf32, #tpu.memory_space<hbm>>
      %dma_wait3A_70 = arith.constant 0 : i32
      %dma_wait3A_71 = tpu.memref_slice %dma_wait3A_69[%mul3A_0, %dma_wait3A_70] : memref<10240x128xf32, #tpu.memory_space<hbm>> -> memref<640x128xf32, #tpu.memory_space<hbm>>
      tpu.wait_dma2 semaphore(%run_scoped3A : memref<!tpu.dma_semaphore, #tpu.memory_space<semaphore_mem>>) src(%dma_wait3A_71 : memref<640x128xf32, #tpu.memory_space<hbm>>) dst(%dma_wait3A_65 : memref<640x128xf32, #tpu.memory_space<vmem_shared>>)
      tpu.yield
    }) : () -> ()
    %barrier3A = arith.constant 0 : index
    tpu.barrier barrier_id(%barrier3A)
    %dma_start3A = arith.constant 0 : i32
    %dma_start3A_3 = tpu.memref_slice %arg4[%mul3A_2, %dma_start3A] : memref<1280x128xi32, #tpu.memory_space<hbm>> -> memref<1x128xi32, #tpu.memory_space<hbm>>
    %dma_start3A_4 = tpu.memref_squeeze %dma_start3A_3 : memref<1x128xi32, #tpu.memory_space<hbm>> -> memref<128xi32, #tpu.memory_space<hbm>>
    %dma_start3A_5 = arith.constant 0 : i32
    %dma_start3A_6 = tpu.memref_slice %arg4[%mul3A_2, %dma_start3A_5] : memref<1280x128xi32, #tpu.memory_space<hbm>> -> memref<1x128xi32, #tpu.memory_space<hbm>>
    %dma_start3A_7 = tpu.memref_squeeze %dma_start3A_6 : memref<1x128xi32, #tpu.memory_space<hbm>> -> memref<128xi32, #tpu.memory_space<hbm>>
    tpu.enqueue_dma source(%dma_start3A_7 : memref<128xi32, #tpu.memory_space<hbm>>) target(%arg8 : memref<128xi32, #tpu.memory_space<vmem>>) target_semaphore(%arg14 : memref<!tpu.dma_semaphore, #tpu.memory_space<semaphore_mem>>)
    %add3A = arith.constant 1 : i32
    %add3A_8 = arith.addi %mul3A_2, %add3A : i32
    %dma_start3A_9 = arith.constant 0 : i32
    %dma_start3A_10 = tpu.memref_slice %arg4[%add3A_8, %dma_start3A_9] : memref<1280x128xi32, #tpu.memory_space<hbm>> -> memref<1x128xi32, #tpu.memory_space<hbm>>
    %dma_start3A_11 = tpu.memref_squeeze %dma_start3A_10 : memref<1x128xi32, #tpu.memory_space<hbm>> -> memref<128xi32, #tpu.memory_space<hbm>>
    %dma_start3A_12 = arith.constant 0 : i32
    %dma_start3A_13 = tpu.memref_slice %arg4[%add3A_8, %dma_start3A_12] : memref<1280x128xi32, #tpu.memory_space<hbm>> -> memref<1x128xi32, #tpu.memory_space<hbm>>
    %dma_start3A_14 = tpu.memref_squeeze %dma_start3A_13 : memref<1x128xi32, #tpu.memory_space<hbm>> -> memref<128xi32, #tpu.memory_space<hbm>>
    tpu.enqueue_dma source(%dma_start3A_14 : memref<128xi32, #tpu.memory_space<hbm>>) target(%arg9 : memref<128xi32, #tpu.memory_space<vmem>>) target_semaphore(%arg15 : memref<!tpu.dma_semaphore, #tpu.memory_space<semaphore_mem>>)
    %dma_start3A_15 = arith.constant 0 : i32
    %dma_start3A_16 = arith.constant 0 : i32
    %dma_start3A_17 = tpu.memref_slice %arg7[%dma_start3A_15, %dma_start3A_16] : memref<80x128xi32, #tpu.memory_space<vmem>> -> memref<1x128xi32, #tpu.memory_space<vmem>>
    %dma_start3A_18 = tpu.memref_squeeze %dma_start3A_17 : memref<1x128xi32, #tpu.memory_space<vmem>> -> memref<128xi32, #tpu.memory_space<vmem>>
    %dma_start3A_19 = arith.constant 0 : i32
    %dma_start3A_20 = arith.constant 0 : i32
    %dma_start3A_21 = tpu.memref_slice %arg2[%arg0, %dma_start3A_19, %dma_start3A_20] : memref<2x10240x128xf32, #tpu.memory_space<hbm>> -> memref<1x10240x128xf32, #tpu.memory_space<hbm>>
    %dma_start3A_22 = tpu.memref_squeeze %dma_start3A_21 : memref<1x10240x128xf32, #tpu.memory_space<hbm>> -> memref<10240x128xf32, #tpu.memory_space<hbm>>
    %dma_start3A_23 = arith.constant 0 : i32
    %dma_start3A_24 = arith.constant 0 : i32
    %dma_start3A_25 = tpu.memref_slice %dma_start3A_22[%dma_start3A_23, %dma_start3A_24] : memref<10240x128xf32, #tpu.memory_space<hbm>> -> memref<10240x128xf32, #tpu.memory_space<hbm>>
    tpu.enqueue_indirect_dma source(%dma_start3A_25 : memref<10240x128xf32, #tpu.memory_space<hbm>>) target(%arg10 : memref<128x128xf32, #tpu.memory_space<vmem>>) offsets(%dma_start3A_18 : memref<128xi32, #tpu.memory_space<vmem>>) semaphore(%arg12 : memref<!tpu.dma_semaphore, #tpu.memory_space<semaphore_mem>>)
    %scan3A = arith.constant 0 : i32
    %scan3A_26 = arith.constant 0 : i32
    %scan3A_27 = arith.constant 40 : i32
    %scan3A_28 = arith.addi %scan3A_26, %scan3A_27 : i32
    %scan3A_29 = arith.constant 1 : i32
    scf.for %scan3A_56 = %scan3A_26 to %scan3A_28 step %scan3A_29  : i32 {
      %mul3A_57 = arith.constant 2 : i32
      %mul3A_58 = arith.muli %mul3A_57, %scan3A_56 : i32
      %add3A_59 = arith.constant 1 : i32
      %add3A_60 = arith.addi %mul3A_58, %add3A_59 : i32
      %mul3A_61 = arith.constant 2 : i32
      %mul3A_62 = arith.muli %mul3A_61, %scan3A_56 : i32
      %add3A_63 = arith.constant 2 : i32
      %add3A_64 = arith.addi %mul3A_62, %add3A_63 : i32
      %min3A = arith.constant 79 : i32
      %min3A_65 = arith.minsi %add3A_64, %min3A : i32
      %mul3A_66 = arith.constant 2 : i32
      %mul3A_67 = arith.muli %mul3A_66, %scan3A_56 : i32
      %add3A_68 = arith.constant 3 : i32
      %add3A_69 = arith.addi %mul3A_67, %add3A_68 : i32
      %min3A_70 = arith.constant 79 : i32
      %min3A_71 = arith.minsi %add3A_69, %min3A_70 : i32
      %dma_wait3A_72 = arith.constant 0 : i32
      %dma_wait3A_73 = arith.constant 0 : i32
      %dma_wait3A_74 = tpu.memref_slice %arg7[%dma_wait3A_72, %dma_wait3A_73] : memref<80x128xi32, #tpu.memory_space<vmem>> -> memref<1x128xi32, #tpu.memory_space<vmem>>
      %dma_wait3A_75 = tpu.memref_squeeze %dma_wait3A_74 : memref<1x128xi32, #tpu.memory_space<vmem>> -> memref<128xi32, #tpu.memory_space<vmem>>
      %dma_wait3A_76 = arith.constant 0 : i32
      %dma_wait3A_77 = arith.constant 0 : i32
      %dma_wait3A_78 = tpu.memref_slice %arg2[%arg0, %dma_wait3A_76, %dma_wait3A_77] : memref<2x10240x128xf32, #tpu.memory_space<hbm>> -> memref<1x10240x128xf32, #tpu.memory_space<hbm>>
      %dma_wait3A_79 = tpu.memref_squeeze %dma_wait3A_78 : memref<1x10240x128xf32, #tpu.memory_space<hbm>> -> memref<10240x128xf32, #tpu.memory_space<hbm>>
      %dma_wait3A_80 = arith.constant 0 : i32
      %dma_wait3A_81 = arith.constant 0 : i32
      %dma_wait3A_82 = tpu.memref_slice %dma_wait3A_79[%dma_wait3A_80, %dma_wait3A_81] : memref<10240x128xf32, #tpu.memory_space<hbm>> -> memref<10240x128xf32, #tpu.memory_space<hbm>>
      tpu.wait_indirect_dma semaphore(%arg12 : memref<!tpu.dma_semaphore, #tpu.memory_space<semaphore_mem>>) src(%dma_wait3A_82 : memref<10240x128xf32, #tpu.memory_space<hbm>>) dst(%arg10 : memref<128x128xf32, #tpu.memory_space<vmem>>)
      %dma_start3A_83 = arith.constant 0 : i32
      %dma_start3A_84 = tpu.memref_slice %arg7[%add3A_60, %dma_start3A_83] : memref<80x128xi32, #tpu.memory_space<vmem>> -> memref<1x128xi32, #tpu.memory_space<vmem>>
      %dma_start3A_85 = tpu.memref_squeeze %dma_start3A_84 : memref<1x128xi32, #tpu.memory_space<vmem>> -> memref<128xi32, #tpu.memory_space<vmem>>
      %dma_start3A_86 = arith.constant 0 : i32
      %dma_start3A_87 = arith.constant 0 : i32
      %dma_start3A_88 = tpu.memref_slice %arg2[%arg0, %dma_start3A_86, %dma_start3A_87] : memref<2x10240x128xf32, #tpu.memory_space<hbm>> -> memref<1x10240x128xf32, #tpu.memory_space<hbm>>
      %dma_start3A_89 = tpu.memref_squeeze %dma_start3A_88 : memref<1x10240x128xf32, #tpu.memory_space<hbm>> -> memref<10240x128xf32, #tpu.memory_space<hbm>>
      %dma_start3A_90 = arith.constant 0 : i32
      %dma_start3A_91 = arith.constant 0 : i32
      %dma_start3A_92 = tpu.memref_slice %dma_start3A_89[%dma_start3A_90, %dma_start3A_91] : memref<10240x128xf32, #tpu.memory_space<hbm>> -> memref<10240x128xf32, #tpu.memory_space<hbm>>
      tpu.enqueue_indirect_dma source(%dma_start3A_92 : memref<10240x128xf32, #tpu.memory_space<hbm>>) target(%arg11 : memref<128x128xf32, #tpu.memory_space<vmem>>) offsets(%dma_start3A_85 : memref<128xi32, #tpu.memory_space<vmem>>) semaphore(%arg13 : memref<!tpu.dma_semaphore, #tpu.memory_space<semaphore_mem>>)
      %dma_wait3A_93 = arith.constant 0 : i32
      %dma_wait3A_94 = arith.constant 0 : i32
      %dma_wait3A_95 = tpu.memref_slice %arg4[%dma_wait3A_93, %dma_wait3A_94] : memref<1280x128xi32, #tpu.memory_space<hbm>> -> memref<1x128xi32, #tpu.memory_space<hbm>>
      %dma_wait3A_96 = tpu.memref_squeeze %dma_wait3A_95 : memref<1x128xi32, #tpu.memory_space<hbm>> -> memref<128xi32, #tpu.memory_space<hbm>>
      %dma_wait3A_97 = arith.constant 0 : i32
      %dma_wait3A_98 = tpu.memref_slice %arg4[%dma_wait3A_93, %dma_wait3A_97] : memref<1280x128xi32, #tpu.memory_space<hbm>> -> memref<1x128xi32, #tpu.memory_space<hbm>>
      %dma_wait3A_99 = tpu.memref_squeeze %dma_wait3A_98 : memref<1x128xi32, #tpu.memory_space<hbm>> -> memref<128xi32, #tpu.memory_space<hbm>>
      tpu.wait_dma2 semaphore(%arg14 : memref<!tpu.dma_semaphore, #tpu.memory_space<semaphore_mem>>) src(%dma_wait3A_99 : memref<128xi32, #tpu.memory_space<hbm>>) dst(%arg8 : memref<128xi32, #tpu.memory_space<vmem>>)
      "tpu.region"() ({
        %run_scoped3A = tpu.sem_alloc : memref<!tpu.dma_semaphore, #tpu.memory_space<semaphore_mem>>
        %dma_start3A_142 = arith.constant 0 : i32
        %dma_start3A_143 = arith.constant 0 : i32
        %dma_start3A_144 = tpu.memref_slice %arg6[%dma_start3A_142, %dma_start3A_143] : memref<10240x128xf32, #tpu.memory_space<vmem_shared>> -> memref<10240x128xf32, #tpu.memory_space<vmem_shared>>
        tpu.enqueue_indirect_dma source(%arg10 : memref<128x128xf32, #tpu.memory_space<vmem>>) target(%dma_start3A_144 : memref<10240x128xf32, #tpu.memory_space<vmem_shared>>) offsets(%arg8 : memref<128xi32, #tpu.memory_space<vmem>>) semaphore(%run_scoped3A : memref<!tpu.dma_semaphore, #tpu.memory_space<semaphore_mem>>) {add = true}
        %dma_wait3A_145 = arith.constant 0 : i32
        %dma_wait3A_146 = arith.constant 0 : i32
        %dma_wait3A_147 = tpu.memref_slice %arg6[%dma_wait3A_145, %dma_wait3A_146] : memref<10240x128xf32, #tpu.memory_space<vmem_shared>> -> memref<10240x128xf32, #tpu.memory_space<vmem_shared>>
        tpu.wait_indirect_dma semaphore(%run_scoped3A : memref<!tpu.dma_semaphore, #tpu.memory_space<semaphore_mem>>) src(%arg10 : memref<128x128xf32, #tpu.memory_space<vmem>>) dst(%dma_wait3A_147 : memref<10240x128xf32, #tpu.memory_space<vmem_shared>>)
        tpu.yield
      }) : () -> ()
      %add3A_100 = arith.addi %mul3A_2, %min3A_65 : i32
      %dma_start3A_101 = arith.constant 0 : i32
      %dma_start3A_102 = tpu.memref_slice %arg4[%add3A_100, %dma_start3A_101] : memref<1280x128xi32, #tpu.memory_space<hbm>> -> memref<1x128xi32, #tpu.memory_space<hbm>>
      %dma_start3A_103 = tpu.memref_squeeze %dma_start3A_102 : memref<1x128xi32, #tpu.memory_space<hbm>> -> memref<128xi32, #tpu.memory_space<hbm>>
      %dma_start3A_104 = arith.constant 0 : i32
      %dma_start3A_105 = tpu.memref_slice %arg4[%add3A_100, %dma_start3A_104] : memref<1280x128xi32, #tpu.memory_space<hbm>> -> memref<1x128xi32, #tpu.memory_space<hbm>>
      %dma_start3A_106 = tpu.memref_squeeze %dma_start3A_105 : memref<1x128xi32, #tpu.memory_space<hbm>> -> memref<128xi32, #tpu.memory_space<hbm>>
      tpu.enqueue_dma source(%dma_start3A_106 : memref<128xi32, #tpu.memory_space<hbm>>) target(%arg8 : memref<128xi32, #tpu.memory_space<vmem>>) target_semaphore(%arg14 : memref<!tpu.dma_semaphore, #tpu.memory_space<semaphore_mem>>)
      %dma_wait3A_107 = arith.constant 0 : i32
      %dma_wait3A_108 = arith.constant 0 : i32
      %dma_wait3A_109 = tpu.memref_slice %arg7[%dma_wait3A_107, %dma_wait3A_108] : memref<80x128xi32, #tpu.memory_space<vmem>> -> memref<1x128xi32, #tpu.memory_space<vmem>>
      %dma_wait3A_110 = tpu.memref_squeeze %dma_wait3A_109 : memref<1x128xi32, #tpu.memory_space<vmem>> -> memref<128xi32, #tpu.memory_space<vmem>>
      %dma_wait3A_111 = arith.constant 0 : i32
      %dma_wait3A_112 = arith.constant 0 : i32
      %dma_wait3A_113 = tpu.memref_slice %arg2[%arg0, %dma_wait3A_111, %dma_wait3A_112] : memref<2x10240x128xf32, #tpu.memory_space<hbm>> -> memref<1x10240x128xf32, #tpu.memory_space<hbm>>
      %dma_wait3A_114 = tpu.memref_squeeze %dma_wait3A_113 : memref<1x10240x128xf32, #tpu.memory_space<hbm>> -> memref<10240x128xf32, #tpu.memory_space<hbm>>
      %dma_wait3A_115 = arith.constant 0 : i32
      %dma_wait3A_116 = arith.constant 0 : i32
      %dma_wait3A_117 = tpu.memref_slice %dma_wait3A_114[%dma_wait3A_115, %dma_wait3A_116] : memref<10240x128xf32, #tpu.memory_space<hbm>> -> memref<10240x128xf32, #tpu.memory_space<hbm>>
      tpu.wait_indirect_dma semaphore(%arg13 : memref<!tpu.dma_semaphore, #tpu.memory_space<semaphore_mem>>) src(%dma_wait3A_117 : memref<10240x128xf32, #tpu.memory_space<hbm>>) dst(%arg11 : memref<128x128xf32, #tpu.memory_space<vmem>>)
      %dma_start3A_118 = arith.constant 0 : i32
      %dma_start3A_119 = tpu.memref_slice %arg7[%min3A_65, %dma_start3A_118] : memref<80x128xi32, #tpu.memory_space<vmem>> -> memref<1x128xi32, #tpu.memory_space<vmem>>
      %dma_start3A_120 = tpu.memref_squeeze %dma_start3A_119 : memref<1x128xi32, #tpu.memory_space<vmem>> -> memref<128xi32, #tpu.memory_space<vmem>>
      %dma_start3A_121 = arith.constant 0 : i32
      %dma_start3A_122 = arith.constant 0 : i32
      %dma_start3A_123 = tpu.memref_slice %arg2[%arg0, %dma_start3A_121, %dma_start3A_122] : memref<2x10240x128xf32, #tpu.memory_space<hbm>> -> memref<1x10240x128xf32, #tpu.memory_space<hbm>>
      %dma_start3A_124 = tpu.memref_squeeze %dma_start3A_123 : memref<1x10240x128xf32, #tpu.memory_space<hbm>> -> memref<10240x128xf32, #tpu.memory_space<hbm>>
      %dma_start3A_125 = arith.constant 0 : i32
      %dma_start3A_126 = arith.constant 0 : i32
      %dma_start3A_127 = tpu.memref_slice %dma_start3A_124[%dma_start3A_125, %dma_start3A_126] : memref<10240x128xf32, #tpu.memory_space<hbm>> -> memref<10240x128xf32, #tpu.memory_space<hbm>>
      tpu.enqueue_indirect_dma source(%dma_start3A_127 : memref<10240x128xf32, #tpu.memory_space<hbm>>) target(%arg10 : memref<128x128xf32, #tpu.memory_space<vmem>>) offsets(%dma_start3A_120 : memref<128xi32, #tpu.memory_space<vmem>>) semaphore(%arg12 : memref<!tpu.dma_semaphore, #tpu.memory_space<semaphore_mem>>)
      %dma_wait3A_128 = arith.constant 0 : i32
      %dma_wait3A_129 = arith.constant 0 : i32
      %dma_wait3A_130 = tpu.memref_slice %arg4[%dma_wait3A_128, %dma_wait3A_129] : memref<1280x128xi32, #tpu.memory_space<hbm>> -> memref<1x128xi32, #tpu.memory_space<hbm>>
      %dma_wait3A_131 = tpu.memref_squeeze %dma_wait3A_130 : memref<1x128xi32, #tpu.memory_space<hbm>> -> memref<128xi32, #tpu.memory_space<hbm>>
      %dma_wait3A_132 = arith.constant 0 : i32
      %dma_wait3A_133 = tpu.memref_slice %arg4[%dma_wait3A_128, %dma_wait3A_132] : memref<1280x128xi32, #tpu.memory_space<hbm>> -> memref<1x128xi32, #tpu.memory_space<hbm>>
      %dma_wait3A_134 = tpu.memref_squeeze %dma_wait3A_133 : memref<1x128xi32, #tpu.memory_space<hbm>> -> memref<128xi32, #tpu.memory_space<hbm>>
      tpu.wait_dma2 semaphore(%arg15 : memref<!tpu.dma_semaphore, #tpu.memory_space<semaphore_mem>>) src(%dma_wait3A_134 : memref<128xi32, #tpu.memory_space<hbm>>) dst(%arg9 : memref<128xi32, #tpu.memory_space<vmem>>)
      "tpu.region"() ({
        %run_scoped3A = tpu.sem_alloc : memref<!tpu.dma_semaphore, #tpu.memory_space<semaphore_mem>>
        %dma_start3A_142 = arith.constant 0 : i32
        %dma_start3A_143 = arith.constant 0 : i32
        %dma_start3A_144 = tpu.memref_slice %arg6[%dma_start3A_142, %dma_start3A_143] : memref<10240x128xf32, #tpu.memory_space<vmem_shared>> -> memref<10240x128xf32, #tpu.memory_space<vmem_shared>>
        tpu.enqueue_indirect_dma source(%arg11 : memref<128x128xf32, #tpu.memory_space<vmem>>) target(%dma_start3A_144 : memref<10240x128xf32, #tpu.memory_space<vmem_shared>>) offsets(%arg9 : memref<128xi32, #tpu.memory_space<vmem>>) semaphore(%run_scoped3A : memref<!tpu.dma_semaphore, #tpu.memory_space<semaphore_mem>>) {add = true}
        %dma_wait3A_145 = arith.constant 0 : i32
        %dma_wait3A_146 = arith.constant 0 : i32
        %dma_wait3A_147 = tpu.memref_slice %arg6[%dma_wait3A_145, %dma_wait3A_146] : memref<10240x128xf32, #tpu.memory_space<vmem_shared>> -> memref<10240x128xf32, #tpu.memory_space<vmem_shared>>
        tpu.wait_indirect_dma semaphore(%run_scoped3A : memref<!tpu.dma_semaphore, #tpu.memory_space<semaphore_mem>>) src(%arg11 : memref<128x128xf32, #tpu.memory_space<vmem>>) dst(%dma_wait3A_147 : memref<10240x128xf32, #tpu.memory_space<vmem_shared>>)
        tpu.yield
      }) : () -> ()
      %add3A_135 = arith.addi %mul3A_2, %min3A_71 : i32
      %dma_start3A_136 = arith.constant 0 : i32
      %dma_start3A_137 = tpu.memref_slice %arg4[%add3A_135, %dma_start3A_136] : memref<1280x128xi32, #tpu.memory_space<hbm>> -> memref<1x128xi32, #tpu.memory_space<hbm>>
      %dma_start3A_138 = tpu.memref_squeeze %dma_start3A_137 : memref<1x128xi32, #tpu.memory_space<hbm>> -> memref<128xi32, #tpu.memory_space<hbm>>
      %dma_start3A_139 = arith.constant 0 : i32
      %dma_start3A_140 = tpu.memref_slice %arg4[%add3A_135, %dma_start3A_139] : memref<1280x128xi32, #tpu.memory_space<hbm>> -> memref<1x128xi32, #tpu.memory_space<hbm>>
      %dma_start3A_141 = tpu.memref_squeeze %dma_start3A_140 : memref<1x128xi32, #tpu.memory_space<hbm>> -> memref<128xi32, #tpu.memory_space<hbm>>
      tpu.enqueue_dma source(%dma_start3A_141 : memref<128xi32, #tpu.memory_space<hbm>>) target(%arg9 : memref<128xi32, #tpu.memory_space<vmem>>) target_semaphore(%arg15 : memref<!tpu.dma_semaphore, #tpu.memory_space<semaphore_mem>>)
    }
    %scan3A_30 = arith.constant 40 : i32
    %dma_wait3A = arith.constant 0 : i32
    %dma_wait3A_31 = arith.constant 0 : i32
    %dma_wait3A_32 = tpu.memref_slice %arg7[%dma_wait3A, %dma_wait3A_31] : memref<80x128xi32, #tpu.memory_space<vmem>> -> memref<1x128xi32, #tpu.memory_space<vmem>>
    %dma_wait3A_33 = tpu.memref_squeeze %dma_wait3A_32 : memref<1x128xi32, #tpu.memory_space<vmem>> -> memref<128xi32, #tpu.memory_space<vmem>>
    %dma_wait3A_34 = arith.constant 0 : i32
    %dma_wait3A_35 = arith.constant 0 : i32
    %dma_wait3A_36 = tpu.memref_slice %arg2[%arg0, %dma_wait3A_34, %dma_wait3A_35] : memref<2x10240x128xf32, #tpu.memory_space<hbm>> -> memref<1x10240x128xf32, #tpu.memory_space<hbm>>
    %dma_wait3A_37 = tpu.memref_squeeze %dma_wait3A_36 : memref<1x10240x128xf32, #tpu.memory_space<hbm>> -> memref<10240x128xf32, #tpu.memory_space<hbm>>
    %dma_wait3A_38 = arith.constant 0 : i32
    %dma_wait3A_39 = arith.constant 0 : i32
    %dma_wait3A_40 = tpu.memref_slice %dma_wait3A_37[%dma_wait3A_38, %dma_wait3A_39] : memref<10240x128xf32, #tpu.memory_space<hbm>> -> memref<10240x128xf32, #tpu.memory_space<hbm>>
    tpu.wait_indirect_dma semaphore(%arg12 : memref<!tpu.dma_semaphore, #tpu.memory_space<semaphore_mem>>) src(%dma_wait3A_40 : memref<10240x128xf32, #tpu.memory_space<hbm>>) dst(%arg10 : memref<128x128xf32, #tpu.memory_space<vmem>>)
    %dma_wait3A_41 = arith.constant 0 : i32
    %dma_wait3A_42 = arith.constant 0 : i32
    %dma_wait3A_43 = tpu.memref_slice %arg4[%dma_wait3A_41, %dma_wait3A_42] : memref<1280x128xi32, #tpu.memory_space<hbm>> -> memref<1x128xi32, #tpu.memory_space<hbm>>
    %dma_wait3A_44 = tpu.memref_squeeze %dma_wait3A_43 : memref<1x128xi32, #tpu.memory_space<hbm>> -> memref<128xi32, #tpu.memory_space<hbm>>
    %dma_wait3A_45 = arith.constant 0 : i32
    %dma_wait3A_46 = tpu.memref_slice %arg4[%dma_wait3A_41, %dma_wait3A_45] : memref<1280x128xi32, #tpu.memory_space<hbm>> -> memref<1x128xi32, #tpu.memory_space<hbm>>
    %dma_wait3A_47 = tpu.memref_squeeze %dma_wait3A_46 : memref<1x128xi32, #tpu.memory_space<hbm>> -> memref<128xi32, #tpu.memory_space<hbm>>
    tpu.wait_dma2 semaphore(%arg14 : memref<!tpu.dma_semaphore, #tpu.memory_space<semaphore_mem>>) src(%dma_wait3A_47 : memref<128xi32, #tpu.memory_space<hbm>>) dst(%arg8 : memref<128xi32, #tpu.memory_space<vmem>>)
    %dma_wait3A_48 = arith.constant 0 : i32
    %dma_wait3A_49 = arith.constant 0 : i32
    %dma_wait3A_50 = tpu.memref_slice %arg4[%dma_wait3A_48, %dma_wait3A_49] : memref<1280x128xi32, #tpu.memory_space<hbm>> -> memref<1x128xi32, #tpu.memory_space<hbm>>
    %dma_wait3A_51 = tpu.memref_squeeze %dma_wait3A_50 : memref<1x128xi32, #tpu.memory_space<hbm>> -> memref<128xi32, #tpu.memory_space<hbm>>
    %dma_wait3A_52 = arith.constant 0 : i32
    %dma_wait3A_53 = tpu.memref_slice %arg4[%dma_wait3A_48, %dma_wait3A_52] : memref<1280x128xi32, #tpu.memory_space<hbm>> -> memref<1x128xi32, #tpu.memory_space<hbm>>
    %dma_wait3A_54 = tpu.memref_squeeze %dma_wait3A_53 : memref<1x128xi32, #tpu.memory_space<hbm>> -> memref<128xi32, #tpu.memory_space<hbm>>
    tpu.wait_dma2 semaphore(%arg15 : memref<!tpu.dma_semaphore, #tpu.memory_space<semaphore_mem>>) src(%dma_wait3A_54 : memref<128xi32, #tpu.memory_space<hbm>>) dst(%arg9 : memref<128xi32, #tpu.memory_space<vmem>>)
    %barrier3A_55 = arith.constant 0 : index
    tpu.barrier barrier_id(%barrier3A_55)
    "tpu.region"() ({
      %run_scoped3A = tpu.sem_alloc : memref<!tpu.dma_semaphore, #tpu.memory_space<semaphore_mem>>
      %dma_start3A_56 = arith.constant 0 : i32
      %dma_start3A_57 = tpu.memref_slice %arg5[%arg0, %mul3A_0, %dma_start3A_56] : memref<2x10240x128xf32, #tpu.memory_space<hbm>> -> memref<1x640x128xf32, #tpu.memory_space<hbm>>
      %dma_start3A_58 = tpu.memref_squeeze %dma_start3A_57 : memref<1x640x128xf32, #tpu.memory_space<hbm>> -> memref<640x128xf32, #tpu.memory_space<hbm>>
      %dma_start3A_59 = arith.constant 0 : i32
      %dma_start3A_60 = tpu.memref_slice %arg6[%mul3A_0, %dma_start3A_59] : memref<10240x128xf32, #tpu.memory_space<vmem_shared>> -> memref<640x128xf32, #tpu.memory_space<vmem_shared>>
      tpu.enqueue_dma source(%dma_start3A_60 : memref<640x128xf32, #tpu.memory_space<vmem_shared>>) target(%dma_start3A_58 : memref<640x128xf32, #tpu.memory_space<hbm>>) target_semaphore(%run_scoped3A : memref<!tpu.dma_semaphore, #tpu.memory_space<semaphore_mem>>)
      %dma_wait3A_61 = arith.constant 0 : i32
      %dma_wait3A_62 = tpu.memref_slice %arg5[%arg0, %mul3A_0, %dma_wait3A_61] : memref<2x10240x128xf32, #tpu.memory_space<hbm>> -> memref<1x640x128xf32, #tpu.memory_space<hbm>>
      %dma_wait3A_63 = tpu.memref_squeeze %dma_wait3A_62 : memref<1x640x128xf32, #tpu.memory_space<hbm>> -> memref<640x128xf32, #tpu.memory_space<hbm>>
      %dma_wait3A_64 = arith.constant 0 : i32
      %dma_wait3A_65 = tpu.memref_slice %arg6[%mul3A_0, %dma_wait3A_64] : memref<10240x128xf32, #tpu.memory_space<vmem_shared>> -> memref<640x128xf32, #tpu.memory_space<vmem_shared>>
      tpu.wait_dma2 semaphore(%run_scoped3A : memref<!tpu.dma_semaphore, #tpu.memory_space<semaphore_mem>>) src(%dma_wait3A_65 : memref<640x128xf32, #tpu.memory_space<vmem_shared>>) dst(%dma_wait3A_63 : memref<640x128xf32, #tpu.memory_space<hbm>>)
      tpu.yield
    }) : () -> ()
    return
  }
}

module attributes {stable_mosaic.version = 14 : i64} {
  func.func @body(%arg0: i32, %arg1: memref<2x1024x128xf32, #tpu.memory_space<vmem>>, %arg2: memref<256x256xf32, #tpu.memory_space<vmem>>, %arg3: memref<1x256xf32, #tpu.memory_space<vmem>>, %arg4: memref<256x256xf32, #tpu.memory_space<vmem>>, %arg5: memref<1x256xf32, #tpu.memory_space<vmem>>, %arg6: memref<2x1024x128xf32, #tpu.memory_space<vmem>>) attributes {dimension_semantics = [#tpu.dimension_semantics<arbitrary>], iteration_bounds = array<i64: 10>, scalar_prefetch = 0 : i64, scratch_operands = 0 : i64, tpu.core_type = #tpu.core_type<tc>, window_params = [{transform_indices = @transform_0, window_bounds = array<i64: 2, 1024, 128>}, {pipeline_mode = #tpu.pipeline_mode<synchronous>, transform_indices = @transform_1, window_bounds = array<i64: 256, 256>}, {pipeline_mode = #tpu.pipeline_mode<synchronous>, transform_indices = @transform_2, window_bounds = array<i64: 1, 256>}, {pipeline_mode = #tpu.pipeline_mode<synchronous>, transform_indices = @transform_3, window_bounds = array<i64: 256, 256>}, {pipeline_mode = #tpu.pipeline_mode<synchronous>, transform_indices = @transform_4, window_bounds = array<i64: 1, 256>}, {transform_indices = @transform_5, window_bounds = array<i64: 2, 1024, 128>}]} {
    %get3A = arith.constant 0 : index
    %get3A_0 = arith.constant 0 : index
    %get3A_1 = arith.constant 0 : index
    %get3A_2 = vector.load %arg1[%get3A, %get3A_0, %get3A_1] : memref<2x1024x128xf32, #tpu.memory_space<vmem>>, vector<1x1024x128xf32>
    %get3A_3 = vector.shape_cast %get3A_2 : vector<1x1024x128xf32> to vector<1024x128xf32>
    %get3A_4 = arith.constant 1 : index
    %get3A_5 = arith.constant 0 : index
    %get3A_6 = arith.constant 0 : index
    %get3A_7 = vector.load %arg1[%get3A_4, %get3A_5, %get3A_6] : memref<2x1024x128xf32, #tpu.memory_space<vmem>>, vector<1x1024x128xf32>
    %get3A_8 = vector.shape_cast %get3A_7 : vector<1x1024x128xf32> to vector<1024x128xf32>
    %concatenate3A = tpu.concatenate %get3A_3, %get3A_8 in 1 : vector<1024x128xf32>, vector<1024x128xf32> -> vector<1024x256xf32>
    %get3A_9 = arith.constant 0 : index
    %get3A_10 = arith.constant 0 : index
    %get3A_11 = vector.load %arg2[%get3A_9, %get3A_10] : memref<256x256xf32, #tpu.memory_space<vmem>>, vector<256x256xf32>
    %dot_general3A = arith.constant dense<0.000000e+00> : vector<1024x256xf32>
    %dot_general3A_12 = tpu.matmul %concatenate3A, %get3A_11, %dot_general3A {dimension_numbers = #tpu.dot_dimension_numbers<[1], [0], [0], [1], [0, 0, 1, 1], [], []>, transpose_lhs_hint = false} : vector<1024x256xf32>, vector<256x256xf32>, vector<1024x256xf32> -> vector<1024x256xf32>
    %get3A_13 = arith.constant 0 : index
    %get3A_14 = arith.constant 0 : index
    %get3A_15 = vector.load %arg3[%get3A_13, %get3A_14] : memref<1x256xf32, #tpu.memory_space<vmem>>, vector<1x256xf32>
    %add3A = vector.broadcast %get3A_15 : vector<1x256xf32> to vector<1024x256xf32>
    %add3A_16 = arith.addf %dot_general3A_12, %add3A : vector<1024x256xf32>
    %max3A = arith.constant 0.000000e+00 : f32
    %max3A_17 = vector.broadcast %max3A : f32 to vector<1024x256xf32>
    %max3A_18 = arith.maximumf %add3A_16, %max3A_17 : vector<1024x256xf32>
    %get3A_19 = arith.constant 0 : index
    %get3A_20 = arith.constant 0 : index
    %get3A_21 = vector.load %arg4[%get3A_19, %get3A_20] : memref<256x256xf32, #tpu.memory_space<vmem>>, vector<256x256xf32>
    %dot_general3A_22 = arith.constant dense<0.000000e+00> : vector<1024x256xf32>
    %dot_general3A_23 = tpu.matmul %max3A_18, %get3A_21, %dot_general3A_22 {dimension_numbers = #tpu.dot_dimension_numbers<[1], [0], [0], [1], [0, 0, 1, 1], [], []>, transpose_lhs_hint = false} : vector<1024x256xf32>, vector<256x256xf32>, vector<1024x256xf32> -> vector<1024x256xf32>
    %get3A_24 = arith.constant 0 : index
    %get3A_25 = arith.constant 0 : index
    %get3A_26 = vector.load %arg5[%get3A_24, %get3A_25] : memref<1x256xf32, #tpu.memory_space<vmem>>, vector<1x256xf32>
    %add3A_27 = vector.broadcast %get3A_26 : vector<1x256xf32> to vector<1024x256xf32>
    %add3A_28 = arith.addf %dot_general3A_23, %add3A_27 : vector<1024x256xf32>
    %max3A_29 = arith.constant 0.000000e+00 : f32
    %max3A_30 = vector.broadcast %max3A_29 : f32 to vector<1024x256xf32>
    %max3A_31 = arith.maximumf %add3A_28, %max3A_30 : vector<1024x256xf32>
    %slice3A = vector.extract_strided_slice %max3A_31 {offsets = [0, 0], sizes = [1024, 128], strides = [1, 1]} : vector<1024x256xf32> to vector<1024x128xf32>
    %swap3A = arith.constant 0 : index
    %swap3A_32 = arith.constant 0 : index
    %swap3A_33 = arith.constant 0 : index
    %swap3A_34 = vector.load %arg6[%swap3A, %swap3A_32, %swap3A_33] : memref<2x1024x128xf32, #tpu.memory_space<vmem>>, vector<1x1024x128xf32>
    %swap3A_35 = vector.shape_cast %swap3A_34 : vector<1x1024x128xf32> to vector<1024x128xf32>
    %swap3A_36 = vector.shape_cast %slice3A : vector<1024x128xf32> to vector<1x1024x128xf32>
    tpu.vector_store %arg6[%swap3A, %swap3A_32, %swap3A_33], %swap3A_36 {strides = array<i32>} : memref<2x1024x128xf32, #tpu.memory_space<vmem>>, vector<1x1024x128xf32>,
    %slice3A_37 = vector.extract_strided_slice %max3A_31 {offsets = [0, 128], sizes = [1024, 128], strides = [1, 1]} : vector<1024x256xf32> to vector<1024x128xf32>
    %swap3A_38 = arith.constant 1 : index
    %swap3A_39 = arith.constant 0 : index
    %swap3A_40 = arith.constant 0 : index
    %swap3A_41 = vector.load %arg6[%swap3A_38, %swap3A_39, %swap3A_40] : memref<2x1024x128xf32, #tpu.memory_space<vmem>>, vector<1x1024x128xf32>
    %swap3A_42 = vector.shape_cast %swap3A_41 : vector<1x1024x128xf32> to vector<1024x128xf32>
    %swap3A_43 = vector.shape_cast %slice3A_37 : vector<1024x128xf32> to vector<1x1024x128xf32>
    tpu.vector_store %arg6[%swap3A_38, %swap3A_39, %swap3A_40], %swap3A_43 {strides = array<i32>} : memref<2x1024x128xf32, #tpu.memory_space<vmem>>, vector<1x1024x128xf32>,
    return
  }
  func.func @transform_0(%arg0: i32) -> (i32, i32, i32) {
    %c0_i32 = arith.constant 0 : i32
    %c0_i32_0 = arith.constant 0 : i32
    %c0_i32_1 = arith.constant 0 : i32
    return %c0_i32, %arg0, %c0_i32_0 : i32, i32, i32
  }
  func.func @transform_1(%arg0: i32) -> (i32, i32) {
    %c0_i32 = arith.constant 0 : i32
    %c0_i32_0 = arith.constant 0 : i32
    %c0_i32_1 = arith.constant 0 : i32
    return %c0_i32, %c0_i32_0 : i32, i32
  }
  func.func @transform_2(%arg0: i32) -> (i32, i32) {
    %c0_i32 = arith.constant 0 : i32
    %c0_i32_0 = arith.constant 0 : i32
    %c0_i32_1 = arith.constant 0 : i32
    return %c0_i32, %c0_i32_0 : i32, i32
  }
  func.func @transform_3(%arg0: i32) -> (i32, i32) {
    %c0_i32 = arith.constant 0 : i32
    %c0_i32_0 = arith.constant 0 : i32
    %c0_i32_1 = arith.constant 0 : i32
    return %c0_i32, %c0_i32_0 : i32, i32
  }
  func.func @transform_4(%arg0: i32) -> (i32, i32) {
    %c0_i32 = arith.constant 0 : i32
    %c0_i32_0 = arith.constant 0 : i32
    %c0_i32_1 = arith.constant 0 : i32
    return %c0_i32, %c0_i32_0 : i32, i32
  }
  func.func @transform_5(%arg0: i32) -> (i32, i32, i32) {
    %c0_i32 = arith.constant 0 : i32
    %c0_i32_0 = arith.constant 0 : i32
    %c0_i32_1 = arith.constant 0 : i32
    return %c0_i32, %arg0, %c0_i32_0 : i32, i32, i32
  }
}

module attributes {stable_mosaic.version = 14 : i64} {
  func.func @body(%arg0: i32, %arg1: memref<2x1000x128xf32, #tpu.memory_space<vmem>>, %arg2: memref<256x256xf32, #tpu.memory_space<vmem>>, %arg3: memref<1x256xf32, #tpu.memory_space<vmem>>, %arg4: memref<256x256xf32, #tpu.memory_space<vmem>>, %arg5: memref<1x256xf32, #tpu.memory_space<vmem>>, %arg6: memref<1000x256xf32, #tpu.memory_space<vmem>>) attributes {dimension_semantics = [#tpu.dimension_semantics<arbitrary>], iteration_bounds = array<i64: 10>, scalar_prefetch = 0 : i64, scratch_operands = 0 : i64, tpu.core_type = #tpu.core_type<tc>, window_params = [{transform_indices = @transform_0, window_bounds = array<i64: 2, 1000, 128>}, {pipeline_mode = #tpu.pipeline_mode<synchronous>, transform_indices = @transform_1, window_bounds = array<i64: 256, 256>}, {pipeline_mode = #tpu.pipeline_mode<synchronous>, transform_indices = @transform_2, window_bounds = array<i64: 1, 256>}, {pipeline_mode = #tpu.pipeline_mode<synchronous>, transform_indices = @transform_3, window_bounds = array<i64: 256, 256>}, {pipeline_mode = #tpu.pipeline_mode<synchronous>, transform_indices = @transform_4, window_bounds = array<i64: 1, 256>}, {transform_indices = @transform_5, window_bounds = array<i64: 1000, 256>}]} {
    %get3A = arith.constant 0 : index
    %get3A_0 = arith.constant 0 : index
    %get3A_1 = arith.constant 0 : index
    %get3A_2 = vector.load %arg1[%get3A, %get3A_0, %get3A_1] : memref<2x1000x128xf32, #tpu.memory_space<vmem>>, vector<1x1000x128xf32>
    %get3A_3 = vector.shape_cast %get3A_2 : vector<1x1000x128xf32> to vector<1000x128xf32>
    %get3A_4 = arith.constant 1 : index
    %get3A_5 = arith.constant 0 : index
    %get3A_6 = arith.constant 0 : index
    %get3A_7 = vector.load %arg1[%get3A_4, %get3A_5, %get3A_6] : memref<2x1000x128xf32, #tpu.memory_space<vmem>>, vector<1x1000x128xf32>
    %get3A_8 = vector.shape_cast %get3A_7 : vector<1x1000x128xf32> to vector<1000x128xf32>
    %concatenate3A = tpu.concatenate %get3A_3, %get3A_8 in 1 : vector<1000x128xf32>, vector<1000x128xf32> -> vector<1000x256xf32>
    %get3A_9 = arith.constant 0 : index
    %get3A_10 = arith.constant 0 : index
    %get3A_11 = vector.load %arg2[%get3A_9, %get3A_10] : memref<256x256xf32, #tpu.memory_space<vmem>>, vector<256x256xf32>
    %dot_general3A = arith.constant dense<0.000000e+00> : vector<1000x256xf32>
    %dot_general3A_12 = tpu.matmul %concatenate3A, %get3A_11, %dot_general3A {dimension_numbers = #tpu.dot_dimension_numbers<[1], [0], [0], [1], [0, 0, 1, 1], [], []>, transpose_lhs_hint = false} : vector<1000x256xf32>, vector<256x256xf32>, vector<1000x256xf32> -> vector<1000x256xf32>
    %get3A_13 = arith.constant 0 : index
    %get3A_14 = arith.constant 0 : index
    %get3A_15 = vector.load %arg3[%get3A_13, %get3A_14] : memref<1x256xf32, #tpu.memory_space<vmem>>, vector<1x256xf32>
    %add3A = vector.broadcast %get3A_15 : vector<1x256xf32> to vector<1000x256xf32>
    %add3A_16 = arith.addf %dot_general3A_12, %add3A : vector<1000x256xf32>
    %max3A = arith.constant 0.000000e+00 : f32
    %max3A_17 = vector.broadcast %max3A : f32 to vector<1000x256xf32>
    %max3A_18 = arith.maximumf %add3A_16, %max3A_17 : vector<1000x256xf32>
    %get3A_19 = arith.constant 0 : index
    %get3A_20 = arith.constant 0 : index
    %get3A_21 = vector.load %arg4[%get3A_19, %get3A_20] : memref<256x256xf32, #tpu.memory_space<vmem>>, vector<256x256xf32>
    %dot_general3A_22 = arith.constant dense<0.000000e+00> : vector<1000x256xf32>
    %dot_general3A_23 = tpu.matmul %max3A_18, %get3A_21, %dot_general3A_22 {dimension_numbers = #tpu.dot_dimension_numbers<[1], [0], [0], [1], [0, 0, 1, 1], [], []>, transpose_lhs_hint = false} : vector<1000x256xf32>, vector<256x256xf32>, vector<1000x256xf32> -> vector<1000x256xf32>
    %get3A_24 = arith.constant 0 : index
    %get3A_25 = arith.constant 0 : index
    %get3A_26 = vector.load %arg5[%get3A_24, %get3A_25] : memref<1x256xf32, #tpu.memory_space<vmem>>, vector<1x256xf32>
    %add3A_27 = vector.broadcast %get3A_26 : vector<1x256xf32> to vector<1000x256xf32>
    %add3A_28 = arith.addf %dot_general3A_23, %add3A_27 : vector<1000x256xf32>
    %swap3A = arith.constant 0 : index
    %swap3A_29 = arith.constant 0 : index
    %swap3A_30 = vector.load %arg6[%swap3A, %swap3A_29] : memref<1000x256xf32, #tpu.memory_space<vmem>>, vector<1000x256xf32>
    tpu.vector_store %arg6[%swap3A, %swap3A_29], %add3A_28 {strides = array<i32>} : memref<1000x256xf32, #tpu.memory_space<vmem>>, vector<1000x256xf32>,
    return
  }
  func.func @transform_0(%arg0: i32) -> (i32, i32, i32) {
    %c0_i32 = arith.constant 0 : i32
    %c0_i32_0 = arith.constant 0 : i32
    %c0_i32_1 = arith.constant 0 : i32
    return %c0_i32, %arg0, %c0_i32_0 : i32, i32, i32
  }
  func.func @transform_1(%arg0: i32) -> (i32, i32) {
    %c0_i32 = arith.constant 0 : i32
    %c0_i32_0 = arith.constant 0 : i32
    %c0_i32_1 = arith.constant 0 : i32
    return %c0_i32, %c0_i32_0 : i32, i32
  }
  func.func @transform_2(%arg0: i32) -> (i32, i32) {
    %c0_i32 = arith.constant 0 : i32
    %c0_i32_0 = arith.constant 0 : i32
    %c0_i32_1 = arith.constant 0 : i32
    return %c0_i32, %c0_i32_0 : i32, i32
  }
  func.func @transform_3(%arg0: i32) -> (i32, i32) {
    %c0_i32 = arith.constant 0 : i32
    %c0_i32_0 = arith.constant 0 : i32
    %c0_i32_1 = arith.constant 0 : i32
    return %c0_i32, %c0_i32_0 : i32, i32
  }
  func.func @transform_4(%arg0: i32) -> (i32, i32) {
    %c0_i32 = arith.constant 0 : i32
    %c0_i32_0 = arith.constant 0 : i32
    %c0_i32_1 = arith.constant 0 : i32
    return %c0_i32, %c0_i32_0 : i32, i32
  }
  func.func @transform_5(%arg0: i32) -> (i32, i32) {
    %c0_i32 = arith.constant 0 : i32
    %c0_i32_0 = arith.constant 0 : i32
    return %arg0, %c0_i32 : i32, i32
  }
}

</mosaic_0001>

<sc_bundles>
// kernel: kernel.6.cloned.1.call-start
scs
__scs_entry_jumppad:
0x0: {  	(pc) =	sbr.rel $0x88, $3  }
0x1: {  	(tag) =	ssettag $0x0;
	lr =	simm.s32 $0x1  }
0x2: {  	[smem:$0x3F97] =	sst lr;
	_ =	strace $0xD0000000  }
0x3: {  	_ = 	snop  }
0x4: {  	_ = 	snop  }
0x5: {  	_ = 	snop  }
0x6: {  	_ = 	snop  }
0x7: {  	_ = 	snop  }
__scs_overlays_trampoline_lowered:
0x8: {  	[smem:$0x3FA6] =	sst s0  }
0x9: {  	[smem:$0x3FA7] =	sst s1  }
0xa: {  	[smem:$0x3FA8] =	sst s2  }
0xb: {  	[smem:$0x3FA9] =	sst s3  }
0xc: {  	[smem:$0x3FAA] =	sst s4  }
0xd: {  	[smem:$0x3FAB] =	sst s5  }
0xe: {  	[smem:$0x3FAC] =	sst s6  }
0xf: {  	[smem:$0x3FAD] =	sst s7  }
0x10: {  	[smem:$0x3FAE] =	sst s8  }
0x11: {  	[smem:$0x3FAF] =	sst s9;
	s0 =	simm.s32 @!p0 $0x0  }
0x12: {  	s1 =	sld [smem:$0x3F95];
	s0 =	simm.s32 @p0 $0x1  }
0x13: {  	[smem:$0x3FB0] =	sst s0;
	s0 =	simm.s32 @!p1 $0x0  }
0x14: {  	s2 =	sld [smem:$0x3F94];
	s0 =	simm.s32 @p1 $0x1  }
0x15: {  	[smem:$0x3FB1] =	sst s0;
	s0 =	simm.s32 @!p2 $0x0  }
0x16: {  	s3 =	sld [smem:$0x3FDB];
	s0 =	simm.s32 @p2 $0x1  }
0x17: {  	s4 =	simm.s32 $0x1BF5;
	[smem:$0x3FB3] =	sst s0  }
0x18: {  	s0 =	sld [smem:$0x3F96];
	_ =	swait.ge [sflag:s4], $0x0  }
0x19: {  	s7 =	sld [smem:$0x3F97]  }
0x1a: {  	s8 =	sadd.s32 $0xFFFFE003, lr  }
0x1b: {  	s9 =	sadd.s32 $0xFFFFFEF7, lr;
	s5 =	simm.s32 $0xFFFFFFFF;
	p2 =	slt.u32 s8, $0xFFFFF086  }
0x1c: {  	p1 =	slt.u32 s9, $0xF7A;
	s5 =	simm.s32 @!p2 $0x0  }
0x1d: {  	s5 =	simm.s32 @p1 $0x1;
	p0 =	seq.s32 s7, s2  }
0x1e: {  	s7 =	smul.u32 @!p0 $0xF7A, s2;
	p2 =	seq.s32 @!p0 s5, $0x0  }
0x1f: {  	s9 =	smul.u32 $0xF7A, s1;
	s8 =	simm.s32 @!p0 $0x1BF5;
	p2 =	por !p2, p0  }
0x20: {  	[sflag:s8] =	ssyncset.s32 @!p0 $0xFFFFF086;
	s6 =	sadd.s32 @!p0 s3, s7;
	s7 =	simm.s32 @!p0 $0x108  }
0x21: {  	s3 =	sadd.s32 s3, s9;
	s6 =	sadd.s32 @!p0 $0x88, s6;
	s7 =	simm.s32 @p2 $0x1082  }
0x22: {  	[simem:s7], [sflag:s8] =	dma.local @!p0 [hbm:s6], $0xF7A  }
0x23: {  	s9 =	sor.u32 $0xD0000000, s2;
	s6 =	simm.s32 $0x108;
	_ =	swait.ge @!p0 [sflag:s8], $0x0  }
0x24: {  	s3 =	sadd.s32 $0x88, s3;
	s6 =	simm.s32 @!p1 $0x1082;
	[sflag:s4] =	ssyncset.s32 $0xFFFFF086  }
0x25: {  	[simem:s6], [sflag:s4] =	dma.local [hbm:s3], $0xF7A  }
0x26: {  	[smem:$0x3F97] =	sst s1;
	(tag) =	ssettag s2;
	_ =	strace s9  }
0x27: {  	s1 =	sld [smem:$0x3FA7]  }
0x28: {  	s2 =	sld [smem:$0x3FA8]  }
0x29: {  	s4 =	sld [smem:$0x3FAA]  }
0x2a: {  	p0 =	seq.s32 s5, $0x0;
	s5 =	sld [smem:$0x3FAB]  }
0x2b: {  	s6 =	sld [smem:$0x3FAC]  }
0x2c: {  	s7 =	sld [smem:$0x3FAD]  }
0x2d: {  	s3 =	simm.s32 $0x108;
	s8 =	sld [smem:$0x3FAE]  }
0x2e: {  	s3 =	simm.s32 @!p0 $0x1082;
	s9 =	sld [smem:$0x3FAF]  }
0x2f: {  	lr =	sadd.s32 s0, s3;
	s0 =	sld [smem:$0x3FA6]  }
0x30: {  	s3 =	sld [smem:$0x3FA9]  }
0x31: {  	[smem:$0x3FB2] =	sst s10  }
0x32: {  	s10 =	sld [smem:$0x3FB0];
	_ =	sdelay $0x3  }
0x33: {  	p0 =	seq.s32 s10, $0x1;
	s10 =	sld [smem:$0x3FB2];
	_ =	sdelay $0x3  }
0x34: {  	[smem:$0x3FB2] =	sst s10  }
0x35: {  	s10 =	sld [smem:$0x3FB1];
	_ =	sdelay $0x3  }
0x36: {  	p1 =	seq.s32 s10, $0x1;
	s10 =	sld [smem:$0x3FB2];
	_ =	sdelay $0x3  }
0x37: {  	[smem:$0x3FB2] =	sst s10  }
0x38: {  	s10 =	sld [smem:$0x3FB3]  }
0x39: {  	_ = 	snop;
	(pc) =	sbr.ind lr, $3  }
0x3a: {  	_ = 	snop  }
0x3b: {  	_ = 	snop  }
0x3c: {  	p2 =	seq.s32 s10, $0x1;
	s10 =	sld [smem:$0x3FB2]  }
0x3d: {  	_ =	shalt  }
0x3e: {  	_ =	shalt  }
0x3f: {  	_ =	shalt  }
0x40: {  	_ =	shalt  }
0x41: {  	_ =	shalt  }
0x42: {  	_ =	shalt  }
0x43: {  	_ =	shalt  }
0x44: {  	_ =	shalt  }
0x45: {  	_ =	shalt  }
0x46: {  	_ =	shalt  }
0x47: {  	_ =	shalt  }
0x48: {  	_ =	shalt  }
0x49: {  	_ =	shalt  }
0x4a: {  	_ =	shalt  }
0x4b: {  	_ =	shalt  }
0x4c: {  	_ =	shalt  }
0x4d: {  	_ =	shalt  }
0x4e: {  	_ =	shalt  }
0x4f: {  	_ =	shalt  }
0x50: {  	_ =	shalt  }
0x51: {  	_ =	shalt  }
0x52: {  	_ =	shalt  }
0x53: {  	_ =	shalt  }
0x54: {  	_ =	shalt  }
0x55: {  	_ =	shalt  }
0x56: {  	_ =	shalt  }
0x57: {  	_ =	shalt  }
0x58: {  	_ =	shalt  }
0x59: {  	_ =	shalt  }
0x5a: {  	_ =	shalt  }
0x5b: {  	_ =	shalt  }
0x5c: {  	_ =	shalt  }
0x5d: {  	_ =	shalt  }
0x5e: {  	_ =	shalt  }
0x5f: {  	_ =	shalt  }
0x60: {  	_ =	shalt  }
0x61: {  	_ =	shalt  }
0x62: {  	_ =	shalt  }
0x63: {  	_ =	shalt  }
0x64: {  	_ =	shalt  }
0x65: {  	_ =	shalt  }
0x66: {  	_ =	shalt  }
0x67: {  	_ =	shalt  }
0x68: {  	_ =	shalt  }
0x69: {  	_ =	shalt  }
0x6a: {  	_ =	shalt  }
0x6b: {  	_ =	shalt  }
0x6c: {  	_ =	shalt  }
0x6d: {  	_ =	shalt  }
0x6e: {  	_ =	shalt  }
0x6f: {  	_ =	shalt  }
0x70: {  	_ =	shalt  }
0x71: {  	_ =	shalt  }
0x72: {  	_ =	shalt  }
0x73: {  	_ =	shalt  }
0x74: {  	_ =	shalt  }
0x75: {  	_ =	shalt  }
0x76: {  	_ =	shalt  }
0x77: {  	_ =	shalt  }
0x78: {  	_ =	shalt  }
0x79: {  	_ =	shalt  }
0x7a: {  	_ =	shalt  }
0x7b: {  	_ =	shalt  }
0x7c: {  	_ =	shalt  }
0x7d: {  	_ =	shalt  }
0x7e: {  	_ =	shalt  }
0x7f: {  	_ =	shalt  }
0x80: {  	_ =	shalt  }
0x81: {  	_ =	shalt  }
0x82: {  	_ =	shalt  }
0x83: {  	_ =	shalt  }
0x84: {  	_ =	shalt  }
0x85: {  	_ =	shalt  }
0x86: {  	_ =	shalt  }
0x87: {  	_ =	shalt  }
.Lfunc_end0:
.L_simem_size_0:
called_computation_lowered:
.L_overlay_start_0:
0x88: {  	s2 =	sld [smem:$0x3FD9]  }
0x89: {  	s3 =	sld [smem:$0x3FFE];
	_ =	sdelay $0x1  }
0x8a: {  	s1 =	srdreg.scid  }
0x8b: {  	s0 =	sand.u32 $0x1, s1  }
0x8c: {  	s17 =	sshll.u32 s0, $0xA;
	s2 =	sadd.s32 s3, s2  }
0x8d: {  	s2 =	sadd.s32 s2, s17  }
0x8e: {  	[smem:$0x3FBE] =	sst s2  }
0x8f: {  	_ = 	snop  }
0x90: {  	s2 =	sld [smem:$0x3FD0];
	(tm) =	ssettm $0x1  }
0x91: {  	s18 =	sld [smem:$0x3FFB];
	_ =	sdelay $0x3  }
0x92: {  	_ =	strace s18  }
0x93: {  	s3 =	sld [smem:$0x3FFC];
	_ =	sdelay $0x3  }
0x94: {  	_ =	strace s3  }
0x95: {  	s3 =	sld [smem:$0x3FFD];
	_ =	sdelay $0x3  }
0x96: {  	_ =	strace s3  }
0x97: {  	_ =	strace $0x8FFFFFFF  }
0x98: {  	s19 =	sld [smem:$0x3FDB];
	_ =	sdelay $0x1  }
0x99: {  	s4 =	simm.s32 $_scs_section_size  }
0x9a: {  	s5 =	simm.s32 $_size__tile_overlayer_lowered;
	s6 =	simm.s32 $_tile_overlayer_lowered  }
0x9b: {  	s22 =	simm.s32 $0x1BFF;
	s21 =	sshll.u32 s6, $0x1;
	s3 =	sadd.s32 s4, s19  }
0x9c: {  	s7 =	simm.s32 $0x0;
	s20 =	sshll.u32 s5, $0x1;
	s5 =	sadd.s32 s21, s3  }
0x9d: {  	[timem:s7], [sflag:s22] =	dma.local [hbm:s5], s20  }
0x9e: {  	_ =	swait.ge [sflag:s22], s20  }
0x9f: {  	s4 =	ssub.s32 $0x0, s20;
	[sflag:s22] =	ssyncset.done $0x0  }
0xa0: {  	[sflag:s22] =	ssyncadd.s32 s4;
	_ =	sdelay $0x1  }
0xa1: {  	s23 =	simm.s32 $0x1B8B  }
0xa2: {  	_ =	swait.ge [sflag:s23], $0x1  }
0xa3: {  	[sflag:s23] =	ssyncset.done $0x0  }
0xa4: {  	s25 =	simm.s32 $0x1B8E;
	s24 =	sld [smem:$0x3FFE];
	[sflag:s23] =	ssyncadd.s32 $0xFFFFFFFF  }
0xa5: {  	s26 =	simm.s32 $execute0_lowered;
	[smem:$0x3FD2] =	sst s25  }
0xa6: {  	s5 =	sshll.u32 s26, $0x1;
	_ =	strace $0x80000046;
	[dreg:$0x1] =	wrdreg $0xFFFFFFFF  }
0xa7: {  	s28 =	simm.s32 $_size_execute0_lowered;
	s3 =	sadd.s32 s3, s5;
	[dreg:$0x0] =	wrdreg $0x0  }
0xa8: {  	s5 =	sshll.u32 s28, $0x1;
	[dreg:$0x2] =	wrdreg s3  }
0xa9: {  	[dreg:$0x3] =	wrdreg s5  }
0xaa: {  	[dreg:$0x4] =	wrdreg $0xC0  }
0xab: {  	_ =	task [dreg:s7], $0x5FFFF  }
0xac: {  	[dreg:$0x1] =	wrdreg $0xFFFFFFFF  }
0xad: {  	[dreg:$0x0] =	wrdreg $0x60  }
0xae: {  	[dreg:$0x2] =	wrdreg s24  }
0xaf: {  	[dreg:$0x3] =	wrdreg s2  }
0xb0: {  	[dreg:$0x4] =	wrdreg $0x0  }
0xb1: {  	[dreg:$0x5] =	wrdreg $0x9  }
0xb2: {  	_ =	task.clear_ibuf [dreg:s7], $0x6FFFF;
	_ =	strace $0x90000046  }
0xb3: {  	s29 =	simm.s32 $0x9;
	_ =	strace $0x80000048  }
0xb4: {  	_ =	swait.ge [sflag:s29], $0x1  }
0xb5: {  	[sflag:s29] =	ssyncadd.s32 $0xFFFFFFFF  }
0xb6: {  	_ =	strace $0x90000048  }
0xb7: {  	_ =	sfence  }
0xb8: {  	s30 =	sld [smem:$0x0];
	_ =	sdelay $0x2  }
0xb9: {  	s31 =	sshll.u32 s1, $0xD;
	s1 =	sshrl.u32 s1, $0x2  }
0xba: {  	s3 =	sand.u32 $0x4000, s31;
	s1 =	sadd.s32 s1, s30  }
0xbb: {  	s0 =	sor.u32 s3, s0;
	s1 =	sshll.u32 s1, $0x11  }
0xbc: {  	s0 =	sor.u32 s1, s0  }
0xbd: {  	s0 =	sadd.s32 $0x8F2B, s0  }
0xbe: {  	[sflag:s0] =	ssyncadd.remote.s32 $0x1  }
0xbf: {  	_ =	sfence.sel $0xFFFF  }
0xc0: {  	[dreg:$0x0] =	wrdreg $0xFFFFFFFF;
	(pc) =	sbr.abs _section_cstart, $3  }
0xc1: {  	[dreg:$0x1] =	wrdreg $0xFFFFFFFF  }
0xc2: {  	_ =	task.clear_ibuf [dreg:s7], $0x2FFFF;
	_ =	strace $0x9FFFFFFF  }
0xc3: {  	(tm) =	ssettm $0x7FFFFFFF  }
tec
execute0_lowered:
.L_overlay_start_1:
0x0: {  	(tag) =	ssettag $0x1  }
0x1: {  	s0 =	rddreg [dreg:$0x0]  }
0x2: {  	s1 =	rddreg [dreg:$0x1]  }
0x3: {  	s2 =	rddreg [dreg:$0x2];
	s3 =	srdreg.scid;
	s4 =	simm.s32 $0x0  }
0x4: {  	s17 =	stileid.u32;
	s14 =	simm.s32 $0x14000;
	s15 =	simm.s32 $0x5  }
0x5: {  	s19 =	simm.s32 $0x16800;
	s20 =	simm.s32 $0x16880;
	s21 =	simm.s32 $0x80  }
0x6: {  	s22 =	simm.s32 $0x16900;
	s23 =	simm.s32 $0x1;
	s8 =	smul.u32 $0x14000, s17  }
0x7: {  	s24 =	simm.s32 $0x1A900;
	s28 =	simm.s32 $0x4;
	s5 =	smul.u32 $0x500, s17  }
0x8: {  	s31 =	simm.s32 $0x16780;
	s3 =	sand.u32 $0x1, s3;
	s9 =	smul.u32 $0x50000, s17  }
0x9: {  	[smem:$0x7FF] =	sst s4;
	s30 =	sshll.u32 s17, $0x6;
	s6 =	smul.u32 $0x140000, s3  }
0xa: {  	_ =	strace $0x80000047;
	s3 =	ssub.s32 $0x2, s3;
	s17 =	sor.u32 $0x1C05, s30  }
0xb: {  	s10 =	sadd.s32 s5, s0;
	s25 =	sshrl.u32 s3, $0x1;
	s9 =	sshrl.u32 s9, $0x2  }
0xc: {  	s16 =	sshrl.u32 s8, $0x3;
	s7 =	sshrl.u32 s6, $0x3;
	s6 =	sadd.s32 s8, s6  }
0xd: {  	s3 =	ssub.s32 s3, s25;
	s26 =	sadd.s32 $0x51800, s10;
	s18 =	sadd.s32 s9, s2  }
0xe: {  	s8 =	sadd.s32 s1, s5;
	s25 =	simm.s32 $0x3;
	s7 =	sadd.s32 s7, s0  }
0xf: {  	s6 =	sshrl.u32 s6, $0x3;
	[dreg:$0x4] =	wrdreg s26;
	s29 =	sadd.s32 $0x10, s8  }
0x10: {  	s11 =	smax.u32 s3, $0x1;
	s12 =	sadd.s32 $0x4F0, s8;
	s13 =	sadd.s32 $0x4E0, s8  }
0x11: {  	s18 =	sshrl.u32 s18, $0x3;
	s26 =	simm.s32 $0x2;
	s0 =	sadd.s32 s6, s0  }
0x12: {  	s7 =	sadd.s32 $0x1800, s7;
	[dreg:$0x5] =	wrdreg s29;
	s0 =	sadd.s32 $0x56800, s0  }
0x13: {  	s16 =	sadd.s32 s16, s7;
	[dreg:$0x6] =	wrdreg s0;
	s0 =	simm.s32 $0x0  }
.LBB2_1:
0x14: {  	s3 =	rddreg [dreg:$0x4]  }
0x15: {  	[tilespmem:s14], [sflag:$0x5] =	stream.linear.gather [hbm4b:s3+s4], $0x2800, $0x38;
	[tilespmem:$0x1E900] =	vst v63  }
0x16: {  	_ =	swait.ge [sflag:s15], $0x2800  }
0x17: {  	[sflag:s15] =	ssyncset.done $0x0  }
0x18: {  	[sflag:s15] =	ssyncadd.s32 $0xFFFFD800  }
0x19: {  	[spmem:s18], [sflag:s17] =	dma.local [hbm:s16], $0x2800  }
0x1a: {  	_ =	swait.ge [sflag:s15], $0x2800  }
0x1b: {  	[sflag:s15] =	ssyncset.done $0x0  }
0x1c: {  	[sflag:s15] =	ssyncadd.s32 $0xFFFFD800  }
0x1d: {  	[bflag:$0x0] =	sbarrier.arrive $0xFFFF  }
0x1e: {  	[tilespmem:s19], [sflag:$0x3] =	stream.linear.gather [hbm4b:s8+s4], $0x80, $0x38;
	[tilespmem:$0x1E900] =	vst v63  }
0x1f: {  	s10 =	rddreg [dreg:$0x5]  }
0x20: {  	[tilespmem:s20], [sflag:$0x4] =	stream.linear.gather [hbm4b:s10+s4], $0x80, $0x38;
	[tilespmem:$0x1E900] =	vst v63  }
0x21: {  	_ = 	snop  }
0x22: {  	[tilespmem:s22], [sflag:$0x1] =	stream.indirect.gather [hbm4b:s7+s21], $0x80, s14, s21, $0xb8;
	[tilespmem:$0x1E900] =	vst v63  }
0x23: {  	_ =	swait.ge [sflag:s23], $0x4000  }
0x24: {  	[sflag:s23] =	ssyncset.done $0x0  }
0x25: {  	s6 =	simm.s32 $0x14080;
	[sflag:s23] =	ssyncadd.s32 $0xFFFFC000  }
0x26: {  	[tilespmem:s24], [sflag:$0x2] =	stream.indirect.gather [hbm4b:s7+s21], $0x80, s6, s21, $0xb8;
	[tilespmem:$0x1E900] =	vst v63  }
0x27: {  	_ =	swait.ge [sflag:s25], $0x80  }
0x28: {  	[sflag:s25] =	ssyncset.done $0x0  }
0x29: {  	s29 =	sadd.s32 $0x0, s5;
	s3 =	simm.s32 $0x20;
	[sflag:s25] =	ssyncadd.s32 $0xFFFFFF80  }
0x2a: {  	[spmem:s2] =	stream.indirect.scatter.add.f32 [tilespmem:s22], [sflag:$0x5], $0x80, s19, s21, $0xb8;
	[tilespmem:$0x1E900] =	vst v63  }
0x2b: {  	s30 =	sand.u32 $0x60, s3;
	s6 =	sadd.s32 $0x20, s29;
	_ =	swait.ge [sflag:s15], $0x4000  }
0x2c: {  	s30 =	sadd.s32 s1, s30;
	s6 =	sand.u32 $0xFF80, s6;
	[sflag:s15] =	ssyncset.done $0x0  }
0x2d: {  	s6 =	sadd.s32 s6, s30;
	[sflag:s15] =	ssyncadd.s32 $0xFFFFC000  }
0x2e: {  	[tilespmem:s19], [sflag:$0x3] =	stream.linear.gather [hbm4b:s6+s4], $0x80, $0x38;
	[tilespmem:$0x1E900] =	vst v63  }
0x2f: {  	_ =	swait.ge [sflag:s26], $0x4000  }
0x30: {  	[sflag:s26] =	ssyncset.done $0x0  }
0x31: {  	s9 =	simm.s32 $0x14100;
	[sflag:s26] =	ssyncadd.s32 $0xFFFFC000  }
0x32: {  	[tilespmem:s22], [sflag:$0x1] =	stream.indirect.gather [hbm4b:s7+s21], $0x80, s9, s21, $0xb8;
	[tilespmem:$0x1E900] =	vst v63  }
0x33: {  	_ =	swait.ge [sflag:s28], $0x80  }
0x34: {  	[sflag:s28] =	ssyncset.done $0x0  }
0x35: {  	s10 =	simm.s32 $0x30;
	[sflag:s28] =	ssyncadd.s32 $0xFFFFFF80  }
0x36: {  	[spmem:s2] =	stream.indirect.scatter.add.f32 [tilespmem:s24], [sflag:$0x5], $0x80, s20, s21, $0xb8;
	[tilespmem:$0x1E900] =	vst v63  }
0x37: {  	s29 =	sadd.s32 $0x30, s29;
	s6 =	sand.u32 $0x70, s10;
	_ =	swait.ge [sflag:s15], $0x4000  }
0x38: {  	s29 =	sand.u32 $0xFF80, s29;
	s6 =	sadd.s32 s1, s6;
	[sflag:s15] =	ssyncset.done $0x0  }
0x39: {  	s30 =	sadd.s32 s29, s6;
	s29 =	simm.s32 $0x14180;
	[sflag:s15] =	ssyncadd.s32 $0xFFFFC000  }
.LBB2_2:
0x3a: {  	[tilespmem:s20], [sflag:$0x4] =	stream.linear.gather [hbm4b:s30+s4], $0x80, $0x38;
	[tilespmem:$0x1E900] =	vst v63  }
0x3b: {  	s6 =	smov.u32 s3  }
0x3c: {  	p0 =	sne.s32 s3, $0x4A0;
	s3 =	sadd.s32 $0x20, s3;
	_ =	swait.ge [sflag:s23], $0x4000  }
0x3d: {  	s30 =	sand.u32 $0x60, s3;
	[sflag:s23] =	ssyncset.done $0x0  }
0x3e: {  	[sflag:s23] =	ssyncadd.s32 $0xFFFFC000  }
0x3f: {  	[tilespmem:s24], [sflag:$0x2] =	stream.indirect.gather [hbm4b:s7+s21], $0x80, s29, s21, $0xb8;
	[tilespmem:$0x1E900] =	vst v63  }
0x40: {  	_ =	swait.ge [sflag:s25], $0x80  }
0x41: {  	[sflag:s25] =	ssyncset.done $0x0  }
0x42: {  	s9 =	sadd.s32 s6, s5;
	[sflag:s25] =	ssyncadd.s32 $0xFFFFFF80  }
0x43: {  	[spmem:s2] =	stream.indirect.scatter.add.f32 [tilespmem:s22], [sflag:$0x5], $0x80, s19, s21, $0xb8;
	[tilespmem:$0x1E900] =	vst v63  }
0x44: {  	s10 =	sadd.s32 $0x20, s9;
	s9 =	sadd.s32 $0x30, s9;
	_ =	swait.ge [sflag:s15], $0x4000  }
0x45: {  	s30 =	sadd.s32 s1, s30;
	s10 =	sand.u32 $0xFF80, s10;
	[sflag:s15] =	ssyncset.done $0x0  }
0x46: {  	s9 =	sand.u32 $0xFF80, s9;
	s10 =	sadd.s32 s10, s30;
	[sflag:s15] =	ssyncadd.s32 $0xFFFFC000  }
0x47: {  	[tilespmem:s19], [sflag:$0x3] =	stream.linear.gather [hbm4b:s10+s4], $0x80, $0x38;
	[tilespmem:$0x1E900] =	vst v63  }
0x48: {  	_ =	swait.ge [sflag:s26], $0x4000  }
0x49: {  	[sflag:s26] =	ssyncset.done $0x0  }
0x4a: {  	s10 =	sadd.s32 $0x80, s29;
	[sflag:s26] =	ssyncadd.s32 $0xFFFFC000  }
0x4b: {  	[tilespmem:s22], [sflag:$0x1] =	stream.indirect.gather [hbm4b:s7+s21], $0x80, s10, s21, $0xb8;
	[tilespmem:$0x1E900] =	vst v63  }
0x4c: {  	_ =	swait.ge [sflag:s28], $0x80  }
0x4d: {  	[sflag:s28] =	ssyncset.done $0x0  }
.Ltmp0:
0x4e: {  	s6 =	sadd.s32 $0x30, s6;
	[sflag:s28] =	ssyncadd.s32 $0xFFFFFF80;
	(pc) =	sbr.rel @p0 .LBB2_2-.Ltmp0, $4  }
0x4f: {  	[spmem:s2] =	stream.indirect.scatter.add.f32 [tilespmem:s24], [sflag:$0x5], $0x80, s20, s21, $0xb8;
	[tilespmem:$0x1E900] =	vst v63  }
0x50: {  	s6 =	sand.u32 $0x70, s6;
	_ =	swait.ge [sflag:s15], $0x4000  }
0x51: {  	s6 =	sadd.s32 s1, s6;
	[sflag:s15] =	ssyncset.done $0x0  }
0x52: {  	s30 =	sadd.s32 s9, s6;
	s29 =	sadd.s32 $0x100, s29;
	[sflag:s15] =	ssyncadd.s32 $0xFFFFC000  }
0x53: {  	[tilespmem:s20], [sflag:$0x4] =	stream.linear.gather [hbm4b:s30+s4], $0x80, $0x38;
	[tilespmem:$0x1E900] =	vst v63  }
0x54: {  	_ =	swait.ge [sflag:s23], $0x4000  }
0x55: {  	[sflag:s23] =	ssyncset.done $0x0  }
0x56: {  	s3 =	simm.s32 $0x16680;
	[sflag:s23] =	ssyncadd.s32 $0xFFFFC000  }
0x57: {  	[tilespmem:s24], [sflag:$0x2] =	stream.indirect.gather [hbm4b:s7+s21], $0x80, s3, s21, $0xb8;
	[tilespmem:$0x1E900] =	vst v63  }
0x58: {  	_ =	swait.ge [sflag:s25], $0x80  }
0x59: {  	[sflag:s25] =	ssyncset.done $0x0  }
0x5a: {  	[sflag:s25] =	ssyncadd.s32 $0xFFFFFF80  }
0x5b: {  	[spmem:s2] =	stream.indirect.scatter.add.f32 [tilespmem:s22], [sflag:$0x5], $0x80, s19, s21, $0xb8;
	[tilespmem:$0x1E900] =	vst v63  }
0x5c: {  	_ =	swait.ge [sflag:s15], $0x4000  }
0x5d: {  	[sflag:s15] =	ssyncset.done $0x0  }
0x5e: {  	[sflag:s15] =	ssyncadd.s32 $0xFFFFC000  }
0x5f: {  	[tilespmem:s19], [sflag:$0x3] =	stream.linear.gather [hbm4b:s13+s4], $0x80, $0x38;
	[tilespmem:$0x1E900] =	vst v63  }
0x60: {  	_ =	swait.ge [sflag:s26], $0x4000  }
0x61: {  	[sflag:s26] =	ssyncset.done $0x0  }
0x62: {  	s29 =	simm.s32 $0x16700;
	[sflag:s26] =	ssyncadd.s32 $0xFFFFC000  }
0x63: {  	[tilespmem:s22], [sflag:$0x1] =	stream.indirect.gather [hbm4b:s7+s21], $0x80, s29, s21, $0xb8;
	[tilespmem:$0x1E900] =	vst v63  }
0x64: {  	_ =	swait.ge [sflag:s28], $0x80  }
0x65: {  	[sflag:s28] =	ssyncset.done $0x0  }
0x66: {  	[sflag:s28] =	ssyncadd.s32 $0xFFFFFF80  }
0x67: {  	[spmem:s2] =	stream.indirect.scatter.add.f32 [tilespmem:s24], [sflag:$0x5], $0x80, s20, s21, $0xb8;
	[tilespmem:$0x1E900] =	vst v63  }
0x68: {  	_ =	swait.ge [sflag:s15], $0x4000  }
0x69: {  	[sflag:s15] =	ssyncset.done $0x0  }
0x6a: {  	[sflag:s15] =	ssyncadd.s32 $0xFFFFC000  }
0x6b: {  	[tilespmem:s20], [sflag:$0x4] =	stream.linear.gather [hbm4b:s12+s4], $0x80, $0x38;
	[tilespmem:$0x1E900] =	vst v63  }
0x6c: {  	_ =	swait.ge [sflag:s23], $0x4000  }
0x6d: {  	[sflag:s23] =	ssyncset.done $0x0  }
0x6e: {  	[sflag:s23] =	ssyncadd.s32 $0xFFFFC000  }
0x6f: {  	[tilespmem:s24], [sflag:$0x2] =	stream.indirect.gather [hbm4b:s7+s21], $0x80, s31, s21, $0xb8;
	[tilespmem:$0x1E900] =	vst v63  }
0x70: {  	_ =	swait.ge [sflag:s25], $0x80  }
0x71: {  	[sflag:s25] =	ssyncset.done $0x0  }
0x72: {  	[sflag:s25] =	ssyncadd.s32 $0xFFFFFF80  }
0x73: {  	[spmem:s2] =	stream.indirect.scatter.add.f32 [tilespmem:s22], [sflag:$0x5], $0x80, s19, s21, $0xb8;
	[tilespmem:$0x1E900] =	vst v63  }
0x74: {  	_ =	swait.ge [sflag:s15], $0x4000  }
0x75: {  	[sflag:s15] =	ssyncset.done $0x0  }
0x76: {  	[sflag:s15] =	ssyncadd.s32 $0xFFFFC000  }
0x77: {  	[tilespmem:s19], [sflag:$0x3] =	stream.linear.gather [hbm4b:s12+s4], $0x80, $0x38;
	[tilespmem:$0x1E900] =	vst v63  }
0x78: {  	_ =	swait.ge [sflag:s26], $0x4000  }
0x79: {  	[sflag:s26] =	ssyncset.done $0x0  }
0x7a: {  	[sflag:s26] =	ssyncadd.s32 $0xFFFFC000  }
0x7b: {  	[tilespmem:s22], [sflag:$0x1] =	stream.indirect.gather [hbm4b:s7+s21], $0x80, s31, s21, $0xb8;
	[tilespmem:$0x1E900] =	vst v63  }
0x7c: {  	_ =	swait.ge [sflag:s28], $0x80  }
0x7d: {  	[sflag:s28] =	ssyncset.done $0x0  }
0x7e: {  	[sflag:s28] =	ssyncadd.s32 $0xFFFFFF80  }
0x7f: {  	[spmem:s2] =	stream.indirect.scatter.add.f32 [tilespmem:s24], [sflag:$0x5], $0x80, s20, s21, $0xb8;
	[tilespmem:$0x1E900] =	vst v63  }
0x80: {  	_ =	swait.ge [sflag:s15], $0x4000  }
0x81: {  	[sflag:s15] =	ssyncset.done $0x0  }
0x82: {  	[sflag:s15] =	ssyncadd.s32 $0xFFFFC000  }
0x83: {  	[tilespmem:s20], [sflag:$0x4] =	stream.linear.gather [hbm4b:s12+s4], $0x80, $0x38;
	[tilespmem:$0x1E900] =	vst v63  }
0x84: {  	_ =	swait.ge [sflag:s23], $0x4000  }
0x85: {  	[sflag:s23] =	ssyncset.done $0x0  }
0x86: {  	[sflag:s23] =	ssyncadd.s32 $0xFFFFC000  }
0x87: {  	_ =	swait.ge [sflag:s25], $0x80  }
0x88: {  	[sflag:s25] =	ssyncset.done $0x0  }
0x89: {  	[sflag:s25] =	ssyncadd.s32 $0xFFFFFF80  }
0x8a: {  	_ =	swait.ge [sflag:s28], $0x80  }
0x8b: {  	[sflag:s28] =	ssyncset.done $0x0  }
0x8c: {  	s0 =	sadd.s32 $0x1, s0;
	[sflag:s28] =	ssyncadd.s32 $0xFFFFFF80  }
0x8d: {  	p0 =	sne.s32 s0, s11;
	[bflag:$0x0] =	sbarrier.arrive $0xFFFF  }
.Ltmp1:
0x8e: {  	s30 =	rddreg [dreg:$0x6];
	(pc) =	sbr.rel @p0 .LBB2_1-.Ltmp1, $4  }
0x8f: {  	[hbm:s30], [sflag:s17] =	dma.local [spmem:s18], $0x2800  }
0x90: {  	_ =	swait.ge [sflag:s15], $0x2800  }
0x91: {  	[sflag:s15] =	ssyncset.done $0x0  }
0x92: {  	[sflag:s15] =	ssyncadd.s32 $0xFFFFD800  }
0x93: {  	_ =	sfence.sel $0x180000  }
0x94: {  	[bflag:$0x0] =	sbarrier.arrive $0xFFFF  }
0x95: {  	_ =	strace $0x90000047  }
0x96: {  	s0 =	stileid.u32;
	[bflag:$0x2] =	sbarrier.arrive $0xFFFF  }
0x97: {  	p0 =	sne.s32 s0, $0x0;
	s0 =	rddreg [dreg:$0x3]  }
0x98: {  	s0 =	sadd.s32 @!p0 $0x100000, s0  }
0x99: {  	[sflag:s0] =	ssyncadd.tile.s32 @!p0 $0x1;
	_ =	shalt  }
.Lfunc_end2:
_tile_overlayer_lowered:
.L_overlay_start_2:
0x9a: {  	(tag) =	ssettag $0x2  }
0x9b: {  	s0 =	rddreg [dreg:$0x0];
	s2 =	stileid.u32  }
0x9c: {  	s1 =	rddreg [dreg:$0x1];
	p0 =	sne.s32 s2, $0x0  }
0x9d: {  	s3 =	rddreg [dreg:$0x2];
	[bflag:$0x3] =	sbarrier.arrive $0xFFFF;
	s2 =	simm.s32 @!p0 $0x1C05  }
0x9e: {  	[timem:s3], [sflag:s2] =	dma.local @!p0 [hbm:s0], s1  }
0x9f: {  	s0 =	simm.s32 @!p0 $0x5  }
0xa0: {  	_ =	swait.ge @!p0 [sflag:s0], s1  }
0xa1: {  	s1 =	ssub.s32 @!p0 $0x0, s1;
	[sflag:s0] =	ssyncset.done @!p0 $0x0  }
0xa2: {  	[sflag:s0] =	ssyncadd.s32 @!p0 s1  }
0xa3: {  	[bflag:$0x3] =	sbarrier.arrive $0xFFFF  }
0xa4: {  	_ =	shalt  }

// kernel: kernel.9.cloned.1.call-start
scs
__scs_entry_jumppad:
0x0: {  	(pc) =	sbr.rel $0x88, $3  }
0x1: {  	(tag) =	ssettag $0x0;
	lr =	simm.s32 $0x1  }
0x2: {  	[smem:$0x3F97] =	sst lr;
	_ =	strace $0xD0000000  }
0x3: {  	_ = 	snop  }
0x4: {  	_ = 	snop  }
0x5: {  	_ = 	snop  }
0x6: {  	_ = 	snop  }
0x7: {  	_ = 	snop  }
__scs_overlays_trampoline_lowered:
0x8: {  	[smem:$0x3FA6] =	sst s0  }
0x9: {  	[smem:$0x3FA7] =	sst s1  }
0xa: {  	[smem:$0x3FA8] =	sst s2  }
0xb: {  	[smem:$0x3FA9] =	sst s3  }
0xc: {  	[smem:$0x3FAA] =	sst s4  }
0xd: {  	[smem:$0x3FAB] =	sst s5  }
0xe: {  	[smem:$0x3FAC] =	sst s6  }
0xf: {  	[smem:$0x3FAD] =	sst s7  }
0x10: {  	[smem:$0x3FAE] =	sst s8  }
0x11: {  	[smem:$0x3FAF] =	sst s9;
	s0 =	simm.s32 @!p0 $0x0  }
0x12: {  	s1 =	sld [smem:$0x3F95];
	s0 =	simm.s32 @p0 $0x1  }
0x13: {  	[smem:$0x3FB0] =	sst s0;
	s0 =	simm.s32 @!p1 $0x0  }
0x14: {  	s2 =	sld [smem:$0x3F94];
	s0 =	simm.s32 @p1 $0x1  }
0x15: {  	[smem:$0x3FB1] =	sst s0;
	s0 =	simm.s32 @!p2 $0x0  }
0x16: {  	s3 =	sld [smem:$0x3FDB];
	s0 =	simm.s32 @p2 $0x1  }
0x17: {  	s4 =	simm.s32 $0x1BF5;
	[smem:$0x3FB3] =	sst s0  }
0x18: {  	s0 =	sld [smem:$0x3F96];
	_ =	swait.ge [sflag:s4], $0x0  }
0x19: {  	s7 =	sld [smem:$0x3F97]  }
0x1a: {  	s8 =	sadd.s32 $0xFFFFE003, lr  }
0x1b: {  	s9 =	sadd.s32 $0xFFFFFEF7, lr;
	s5 =	simm.s32 $0xFFFFFFFF;
	p2 =	slt.u32 s8, $0xFFFFF086  }
0x1c: {  	p1 =	slt.u32 s9, $0xF7A;
	s5 =	simm.s32 @!p2 $0x0  }
0x1d: {  	s5 =	simm.s32 @p1 $0x1;
	p0 =	seq.s32 s7, s2  }
0x1e: {  	s7 =	smul.u32 @!p0 $0xF7A, s2;
	p2 =	seq.s32 @!p0 s5, $0x0  }
0x1f: {  	s9 =	smul.u32 $0xF7A, s1;
	s8 =	simm.s32 @!p0 $0x1BF5;
	p2 =	por !p2, p0  }
0x20: {  	[sflag:s8] =	ssyncset.s32 @!p0 $0xFFFFF086;
	s6 =	sadd.s32 @!p0 s3, s7;
	s7 =	simm.s32 @!p0 $0x108  }
0x21: {  	s3 =	sadd.s32 s3, s9;
	s6 =	sadd.s32 @!p0 $0x88, s6;
	s7 =	simm.s32 @p2 $0x1082  }
0x22: {  	[simem:s7], [sflag:s8] =	dma.local @!p0 [hbm:s6], $0xF7A  }
0x23: {  	s9 =	sor.u32 $0xD0000000, s2;
	s6 =	simm.s32 $0x108;
	_ =	swait.ge @!p0 [sflag:s8], $0x0  }
0x24: {  	s3 =	sadd.s32 $0x88, s3;
	s6 =	simm.s32 @!p1 $0x1082;
	[sflag:s4] =	ssyncset.s32 $0xFFFFF086  }
0x25: {  	[simem:s6], [sflag:s4] =	dma.local [hbm:s3], $0xF7A  }
0x26: {  	[smem:$0x3F97] =	sst s1;
	(tag) =	ssettag s2;
	_ =	strace s9  }
0x27: {  	s1 =	sld [smem:$0x3FA7]  }
0x28: {  	s2 =	sld [smem:$0x3FA8]  }
0x29: {  	s4 =	sld [smem:$0x3FAA]  }
0x2a: {  	p0 =	seq.s32 s5, $0x0;
	s5 =	sld [smem:$0x3FAB]  }
0x2b: {  	s6 =	sld [smem:$0x3FAC]  }
0x2c: {  	s7 =	sld [smem:$0x3FAD]  }
0x2d: {  	s3 =	simm.s32 $0x108;
	s8 =	sld [smem:$0x3FAE]  }
0x2e: {  	s3 =	simm.s32 @!p0 $0x1082;
	s9 =	sld [smem:$0x3FAF]  }
0x2f: {  	lr =	sadd.s32 s0, s3;
	s0 =	sld [smem:$0x3FA6]  }
0x30: {  	s3 =	sld [smem:$0x3FA9]  }
0x31: {  	[smem:$0x3FB2] =	sst s10  }
0x32: {  	s10 =	sld [smem:$0x3FB0];
	_ =	sdelay $0x3  }
0x33: {  	p0 =	seq.s32 s10, $0x1;
	s10 =	sld [smem:$0x3FB2];
	_ =	sdelay $0x3  }
0x34: {  	[smem:$0x3FB2] =	sst s10  }
0x35: {  	s10 =	sld [smem:$0x3FB1];
	_ =	sdelay $0x3  }
0x36: {  	p1 =	seq.s32 s10, $0x1;
	s10 =	sld [smem:$0x3FB2];
	_ =	sdelay $0x3  }
0x37: {  	[smem:$0x3FB2] =	sst s10  }
0x38: {  	s10 =	sld [smem:$0x3FB3]  }
0x39: {  	_ = 	snop;
	(pc) =	sbr.ind lr, $3  }
0x3a: {  	_ = 	snop  }
0x3b: {  	_ = 	snop  }
0x3c: {  	p2 =	seq.s32 s10, $0x1;
	s10 =	sld [smem:$0x3FB2]  }
0x3d: {  	_ =	shalt  }
0x3e: {  	_ =	shalt  }
0x3f: {  	_ =	shalt  }
0x40: {  	_ =	shalt  }
0x41: {  	_ =	shalt  }
0x42: {  	_ =	shalt  }
0x43: {  	_ =	shalt  }
0x44: {  	_ =	shalt  }
0x45: {  	_ =	shalt  }
0x46: {  	_ =	shalt  }
0x47: {  	_ =	shalt  }
0x48: {  	_ =	shalt  }
0x49: {  	_ =	shalt  }
0x4a: {  	_ =	shalt  }
0x4b: {  	_ =	shalt  }
0x4c: {  	_ =	shalt  }
0x4d: {  	_ =	shalt  }
0x4e: {  	_ =	shalt  }
0x4f: {  	_ =	shalt  }
0x50: {  	_ =	shalt  }
0x51: {  	_ =	shalt  }
0x52: {  	_ =	shalt  }
0x53: {  	_ =	shalt  }
0x54: {  	_ =	shalt  }
0x55: {  	_ =	shalt  }
0x56: {  	_ =	shalt  }
0x57: {  	_ =	shalt  }
0x58: {  	_ =	shalt  }
0x59: {  	_ =	shalt  }
0x5a: {  	_ =	shalt  }
0x5b: {  	_ =	shalt  }
0x5c: {  	_ =	shalt  }
0x5d: {  	_ =	shalt  }
0x5e: {  	_ =	shalt  }
0x5f: {  	_ =	shalt  }
0x60: {  	_ =	shalt  }
0x61: {  	_ =	shalt  }
0x62: {  	_ =	shalt  }
0x63: {  	_ =	shalt  }
0x64: {  	_ =	shalt  }
0x65: {  	_ =	shalt  }
0x66: {  	_ =	shalt  }
0x67: {  	_ =	shalt  }
0x68: {  	_ =	shalt  }
0x69: {  	_ =	shalt  }
0x6a: {  	_ =	shalt  }
0x6b: {  	_ =	shalt  }
0x6c: {  	_ =	shalt  }
0x6d: {  	_ =	shalt  }
0x6e: {  	_ =	shalt  }
0x6f: {  	_ =	shalt  }
0x70: {  	_ =	shalt  }
0x71: {  	_ =	shalt  }
0x72: {  	_ =	shalt  }
0x73: {  	_ =	shalt  }
0x74: {  	_ =	shalt  }
0x75: {  	_ =	shalt  }
0x76: {  	_ =	shalt  }
0x77: {  	_ =	shalt  }
0x78: {  	_ =	shalt  }
0x79: {  	_ =	shalt  }
0x7a: {  	_ =	shalt  }
0x7b: {  	_ =	shalt  }
0x7c: {  	_ =	shalt  }
0x7d: {  	_ =	shalt  }
0x7e: {  	_ =	shalt  }
0x7f: {  	_ =	shalt  }
0x80: {  	_ =	shalt  }
0x81: {  	_ =	shalt  }
0x82: {  	_ =	shalt  }
0x83: {  	_ =	shalt  }
0x84: {  	_ =	shalt  }
0x85: {  	_ =	shalt  }
0x86: {  	_ =	shalt  }
0x87: {  	_ =	shalt  }
.Lfunc_end0:
.L_simem_size_0:
called_computation.1_lowered:
.L_overlay_start_0:
0x88: {  	s2 =	sld [smem:$0x3FD9]  }
0x89: {  	s3 =	sld [smem:$0x3FFE];
	_ =	sdelay $0x1  }
0x8a: {  	s1 =	srdreg.scid  }
0x8b: {  	s0 =	sand.u32 $0x1, s1  }
0x8c: {  	s17 =	sshll.u32 s0, $0xA;
	s2 =	sadd.s32 s3, s2  }
0x8d: {  	s2 =	sadd.s32 s2, s17  }
0x8e: {  	[smem:$0x3FBE] =	sst s2  }
0x8f: {  	_ = 	snop  }
0x90: {  	s2 =	sld [smem:$0x3FD0];
	(tm) =	ssettm $0x1  }
0x91: {  	s18 =	sld [smem:$0x3FFB];
	_ =	sdelay $0x3  }
0x92: {  	_ =	strace s18  }
0x93: {  	s3 =	sld [smem:$0x3FFC];
	_ =	sdelay $0x3  }
0x94: {  	_ =	strace s3  }
0x95: {  	s3 =	sld [smem:$0x3FFD];
	_ =	sdelay $0x3  }
0x96: {  	_ =	strace s3  }
0x97: {  	_ =	strace $0x8FFFFFFF  }
0x98: {  	s19 =	sld [smem:$0x3FDB];
	_ =	sdelay $0x1  }
0x99: {  	s4 =	simm.s32 $_scs_section_size  }
0x9a: {  	s5 =	simm.s32 $_size__tile_overlayer_lowered;
	s6 =	simm.s32 $_tile_overlayer_lowered  }
0x9b: {  	s22 =	simm.s32 $0x1BFF;
	s21 =	sshll.u32 s6, $0x1;
	s3 =	sadd.s32 s4, s19  }
0x9c: {  	s7 =	simm.s32 $0x0;
	s20 =	sshll.u32 s5, $0x1;
	s5 =	sadd.s32 s21, s3  }
0x9d: {  	[timem:s7], [sflag:s22] =	dma.local [hbm:s5], s20  }
0x9e: {  	_ =	swait.ge [sflag:s22], s20  }
0x9f: {  	s4 =	ssub.s32 $0x0, s20;
	[sflag:s22] =	ssyncset.done $0x0  }
0xa0: {  	[sflag:s22] =	ssyncadd.s32 s4;
	_ =	sdelay $0x1  }
0xa1: {  	s23 =	simm.s32 $0x1B8B  }
0xa2: {  	_ =	swait.ge [sflag:s23], $0x1  }
0xa3: {  	[sflag:s23] =	ssyncset.done $0x0  }
0xa4: {  	s25 =	simm.s32 $0x1B8E;
	s24 =	sld [smem:$0x3FFE];
	[sflag:s23] =	ssyncadd.s32 $0xFFFFFFFF  }
0xa5: {  	s26 =	simm.s32 $execute0_lowered;
	[smem:$0x3FD2] =	sst s25  }
0xa6: {  	s5 =	sshll.u32 s26, $0x1;
	_ =	strace $0x80000049;
	[dreg:$0x1] =	wrdreg $0xFFFFFFFF  }
0xa7: {  	s28 =	simm.s32 $_size_execute0_lowered;
	s3 =	sadd.s32 s3, s5;
	[dreg:$0x0] =	wrdreg $0x0  }
0xa8: {  	s5 =	sshll.u32 s28, $0x1;
	[dreg:$0x2] =	wrdreg s3  }
0xa9: {  	[dreg:$0x3] =	wrdreg s5  }
0xaa: {  	[dreg:$0x4] =	wrdreg $0xC0  }
0xab: {  	_ =	task [dreg:s7], $0x5FFFF  }
0xac: {  	[dreg:$0x1] =	wrdreg $0xFFFFFFFF  }
0xad: {  	[dreg:$0x0] =	wrdreg $0x60  }
0xae: {  	[dreg:$0x2] =	wrdreg s24  }
0xaf: {  	[dreg:$0x3] =	wrdreg s2  }
0xb0: {  	[dreg:$0x4] =	wrdreg $0x0  }
0xb1: {  	[dreg:$0x5] =	wrdreg $0x9  }
0xb2: {  	_ =	task.clear_ibuf [dreg:s7], $0x6FFFF;
	_ =	strace $0x90000049  }
0xb3: {  	s29 =	simm.s32 $0x9;
	_ =	strace $0x8000004B  }
0xb4: {  	_ =	swait.ge [sflag:s29], $0x1  }
0xb5: {  	[sflag:s29] =	ssyncadd.s32 $0xFFFFFFFF  }
0xb6: {  	_ =	strace $0x9000004B  }
0xb7: {  	_ =	sfence  }
0xb8: {  	s30 =	sld [smem:$0x0];
	_ =	sdelay $0x2  }
0xb9: {  	s31 =	sshll.u32 s1, $0xD;
	s1 =	sshrl.u32 s1, $0x2  }
0xba: {  	s3 =	sand.u32 $0x4000, s31;
	s1 =	sadd.s32 s1, s30  }
0xbb: {  	s0 =	sor.u32 s3, s0;
	s1 =	sshll.u32 s1, $0x11  }
0xbc: {  	s0 =	sor.u32 s1, s0  }
0xbd: {  	s0 =	sadd.s32 $0x8F2B, s0  }
0xbe: {  	[sflag:s0] =	ssyncadd.remote.s32 $0x1  }
0xbf: {  	_ =	sfence.sel $0xFFFF  }
0xc0: {  	[dreg:$0x0] =	wrdreg $0xFFFFFFFF;
	(pc) =	sbr.abs _section_cstart, $3  }
0xc1: {  	[dreg:$0x1] =	wrdreg $0xFFFFFFFF  }
0xc2: {  	_ =	task.clear_ibuf [dreg:s7], $0x2FFFF;
	_ =	strace $0x9FFFFFFF  }
0xc3: {  	(tm) =	ssettm $0x7FFFFFFF  }
tec
execute0_lowered:
.L_overlay_start_1:
0x0: {  	(tag) =	ssettag $0x1  }
0x1: {  	s0 =	rddreg [dreg:$0x0]  }
0x2: {  	s1 =	rddreg [dreg:$0x1]  }
0x3: {  	s2 =	rddreg [dreg:$0x2];
	s3 =	srdreg.scid;
	s4 =	simm.s32 $0x0  }
0x4: {  	s17 =	stileid.u32;
	s14 =	simm.s32 $0x14000;
	s15 =	simm.s32 $0x5  }
0x5: {  	s19 =	simm.s32 $0x16800;
	s20 =	simm.s32 $0x16880;
	s21 =	simm.s32 $0x80  }
0x6: {  	s22 =	simm.s32 $0x16900;
	s23 =	simm.s32 $0x1;
	s8 =	smul.u32 $0x14000, s17  }
0x7: {  	s24 =	simm.s32 $0x1A900;
	s28 =	simm.s32 $0x4;
	s5 =	smul.u32 $0x500, s17  }
0x8: {  	s31 =	simm.s32 $0x16780;
	s3 =	sand.u32 $0x1, s3;
	s9 =	smul.u32 $0x50000, s17  }
0x9: {  	[smem:$0x7FF] =	sst s4;
	s30 =	sshll.u32 s17, $0x6;
	s6 =	smul.u32 $0x140000, s3  }
0xa: {  	_ =	strace $0x8000004A;
	s3 =	ssub.s32 $0x2, s3;
	s17 =	sor.u32 $0x1C05, s30  }
0xb: {  	s10 =	sadd.s32 s5, s0;
	s25 =	sshrl.u32 s3, $0x1;
	s9 =	sshrl.u32 s9, $0x2  }
0xc: {  	s16 =	sshrl.u32 s8, $0x3;
	s7 =	sshrl.u32 s6, $0x3;
	s6 =	sadd.s32 s8, s6  }
0xd: {  	s3 =	ssub.s32 s3, s25;
	s26 =	sadd.s32 $0x51800, s10;
	s18 =	sadd.s32 s9, s2  }
0xe: {  	s8 =	sadd.s32 s1, s5;
	s25 =	simm.s32 $0x3;
	s7 =	sadd.s32 s7, s0  }
0xf: {  	s6 =	sshrl.u32 s6, $0x3;
	[dreg:$0x4] =	wrdreg s26;
	s29 =	sadd.s32 $0x10, s8  }
0x10: {  	s11 =	smax.u32 s3, $0x1;
	s12 =	sadd.s32 $0x4F0, s8;
	s13 =	sadd.s32 $0x4E0, s8  }
0x11: {  	s18 =	sshrl.u32 s18, $0x3;
	s26 =	simm.s32 $0x2;
	s0 =	sadd.s32 s6, s0  }
0x12: {  	s7 =	sadd.s32 $0x1800, s7;
	[dreg:$0x5] =	wrdreg s29;
	s0 =	sadd.s32 $0x56800, s0  }
0x13: {  	s16 =	sadd.s32 s16, s7;
	[dreg:$0x6] =	wrdreg s0;
	s0 =	simm.s32 $0x0  }
.LBB2_1:
0x14: {  	s3 =	rddreg [dreg:$0x4]  }
0x15: {  	[tilespmem:s14], [sflag:$0x5] =	stream.linear.gather [hbm4b:s3+s4], $0x2800, $0x38;
	[tilespmem:$0x1E900] =	vst v63  }
0x16: {  	_ =	swait.ge [sflag:s15], $0x2800  }
0x17: {  	[sflag:s15] =	ssyncset.done $0x0  }
0x18: {  	[sflag:s15] =	ssyncadd.s32 $0xFFFFD800  }
0x19: {  	[spmem:s18], [sflag:s17] =	dma.local [hbm:s16], $0x2800  }
0x1a: {  	_ =	swait.ge [sflag:s15], $0x2800  }
0x1b: {  	[sflag:s15] =	ssyncset.done $0x0  }
0x1c: {  	[sflag:s15] =	ssyncadd.s32 $0xFFFFD800  }
0x1d: {  	[bflag:$0x0] =	sbarrier.arrive $0xFFFF  }
0x1e: {  	[tilespmem:s19], [sflag:$0x3] =	stream.linear.gather [hbm4b:s8+s4], $0x80, $0x38;
	[tilespmem:$0x1E900] =	vst v63  }
0x1f: {  	s10 =	rddreg [dreg:$0x5]  }
0x20: {  	[tilespmem:s20], [sflag:$0x4] =	stream.linear.gather [hbm4b:s10+s4], $0x80, $0x38;
	[tilespmem:$0x1E900] =	vst v63  }
0x21: {  	_ = 	snop  }
0x22: {  	[tilespmem:s22], [sflag:$0x1] =	stream.indirect.gather [hbm4b:s7+s21], $0x80, s14, s21, $0xb8;
	[tilespmem:$0x1E900] =	vst v63  }
0x23: {  	_ =	swait.ge [sflag:s23], $0x4000  }
0x24: {  	[sflag:s23] =	ssyncset.done $0x0  }
0x25: {  	s6 =	simm.s32 $0x14080;
	[sflag:s23] =	ssyncadd.s32 $0xFFFFC000  }
0x26: {  	[tilespmem:s24], [sflag:$0x2] =	stream.indirect.gather [hbm4b:s7+s21], $0x80, s6, s21, $0xb8;
	[tilespmem:$0x1E900] =	vst v63  }
0x27: {  	_ =	swait.ge [sflag:s25], $0x80  }
0x28: {  	[sflag:s25] =	ssyncset.done $0x0  }
0x29: {  	s29 =	sadd.s32 $0x0, s5;
	s3 =	simm.s32 $0x20;
	[sflag:s25] =	ssyncadd.s32 $0xFFFFFF80  }
0x2a: {  	[spmem:s2] =	stream.indirect.scatter.add.f32 [tilespmem:s22], [sflag:$0x5], $0x80, s19, s21, $0xb8;
	[tilespmem:$0x1E900] =	vst v63  }
0x2b: {  	s30 =	sand.u32 $0x60, s3;
	s6 =	sadd.s32 $0x20, s29;
	_ =	swait.ge [sflag:s15], $0x4000  }
0x2c: {  	s30 =	sadd.s32 s1, s30;
	s6 =	sand.u32 $0xFF80, s6;
	[sflag:s15] =	ssyncset.done $0x0  }
0x2d: {  	s6 =	sadd.s32 s6, s30;
	[sflag:s15] =	ssyncadd.s32 $0xFFFFC000  }
0x2e: {  	[tilespmem:s19], [sflag:$0x3] =	stream.linear.gather [hbm4b:s6+s4], $0x80, $0x38;
	[tilespmem:$0x1E900] =	vst v63  }
0x2f: {  	_ =	swait.ge [sflag:s26], $0x4000  }
0x30: {  	[sflag:s26] =	ssyncset.done $0x0  }
0x31: {  	s9 =	simm.s32 $0x14100;
	[sflag:s26] =	ssyncadd.s32 $0xFFFFC000  }
0x32: {  	[tilespmem:s22], [sflag:$0x1] =	stream.indirect.gather [hbm4b:s7+s21], $0x80, s9, s21, $0xb8;
	[tilespmem:$0x1E900] =	vst v63  }
0x33: {  	_ =	swait.ge [sflag:s28], $0x80  }
0x34: {  	[sflag:s28] =	ssyncset.done $0x0  }
0x35: {  	s10 =	simm.s32 $0x30;
	[sflag:s28] =	ssyncadd.s32 $0xFFFFFF80  }
0x36: {  	[spmem:s2] =	stream.indirect.scatter.add.f32 [tilespmem:s24], [sflag:$0x5], $0x80, s20, s21, $0xb8;
	[tilespmem:$0x1E900] =	vst v63  }
0x37: {  	s29 =	sadd.s32 $0x30, s29;
	s6 =	sand.u32 $0x70, s10;
	_ =	swait.ge [sflag:s15], $0x4000  }
0x38: {  	s29 =	sand.u32 $0xFF80, s29;
	s6 =	sadd.s32 s1, s6;
	[sflag:s15] =	ssyncset.done $0x0  }
0x39: {  	s30 =	sadd.s32 s29, s6;
	s29 =	simm.s32 $0x14180;
	[sflag:s15] =	ssyncadd.s32 $0xFFFFC000  }
.LBB2_2:
0x3a: {  	[tilespmem:s20], [sflag:$0x4] =	stream.linear.gather [hbm4b:s30+s4], $0x80, $0x38;
	[tilespmem:$0x1E900] =	vst v63  }
0x3b: {  	s6 =	smov.u32 s3  }
0x3c: {  	p0 =	sne.s32 s3, $0x4A0;
	s3 =	sadd.s32 $0x20, s3;
	_ =	swait.ge [sflag:s23], $0x4000  }
0x3d: {  	s30 =	sand.u32 $0x60, s3;
	[sflag:s23] =	ssyncset.done $0x0  }
0x3e: {  	[sflag:s23] =	ssyncadd.s32 $0xFFFFC000  }
0x3f: {  	[tilespmem:s24], [sflag:$0x2] =	stream.indirect.gather [hbm4b:s7+s21], $0x80, s29, s21, $0xb8;
	[tilespmem:$0x1E900] =	vst v63  }
0x40: {  	_ =	swait.ge [sflag:s25], $0x80  }
0x41: {  	[sflag:s25] =	ssyncset.done $0x0  }
0x42: {  	s9 =	sadd.s32 s6, s5;
	[sflag:s25] =	ssyncadd.s32 $0xFFFFFF80  }
0x43: {  	[spmem:s2] =	stream.indirect.scatter.add.f32 [tilespmem:s22], [sflag:$0x5], $0x80, s19, s21, $0xb8;
	[tilespmem:$0x1E900] =	vst v63  }
0x44: {  	s10 =	sadd.s32 $0x20, s9;
	s9 =	sadd.s32 $0x30, s9;
	_ =	swait.ge [sflag:s15], $0x4000  }
0x45: {  	s30 =	sadd.s32 s1, s30;
	s10 =	sand.u32 $0xFF80, s10;
	[sflag:s15] =	ssyncset.done $0x0  }
0x46: {  	s9 =	sand.u32 $0xFF80, s9;
	s10 =	sadd.s32 s10, s30;
	[sflag:s15] =	ssyncadd.s32 $0xFFFFC000  }
0x47: {  	[tilespmem:s19], [sflag:$0x3] =	stream.linear.gather [hbm4b:s10+s4], $0x80, $0x38;
	[tilespmem:$0x1E900] =	vst v63  }
0x48: {  	_ =	swait.ge [sflag:s26], $0x4000  }
0x49: {  	[sflag:s26] =	ssyncset.done $0x0  }
0x4a: {  	s10 =	sadd.s32 $0x80, s29;
	[sflag:s26] =	ssyncadd.s32 $0xFFFFC000  }
0x4b: {  	[tilespmem:s22], [sflag:$0x1] =	stream.indirect.gather [hbm4b:s7+s21], $0x80, s10, s21, $0xb8;
	[tilespmem:$0x1E900] =	vst v63  }
0x4c: {  	_ =	swait.ge [sflag:s28], $0x80  }
0x4d: {  	[sflag:s28] =	ssyncset.done $0x0  }
.Ltmp0:
0x4e: {  	s6 =	sadd.s32 $0x30, s6;
	[sflag:s28] =	ssyncadd.s32 $0xFFFFFF80;
	(pc) =	sbr.rel @p0 .LBB2_2-.Ltmp0, $4  }
0x4f: {  	[spmem:s2] =	stream.indirect.scatter.add.f32 [tilespmem:s24], [sflag:$0x5], $0x80, s20, s21, $0xb8;
	[tilespmem:$0x1E900] =	vst v63  }
0x50: {  	s6 =	sand.u32 $0x70, s6;
	_ =	swait.ge [sflag:s15], $0x4000  }
0x51: {  	s6 =	sadd.s32 s1, s6;
	[sflag:s15] =	ssyncset.done $0x0  }
0x52: {  	s30 =	sadd.s32 s9, s6;
	s29 =	sadd.s32 $0x100, s29;
	[sflag:s15] =	ssyncadd.s32 $0xFFFFC000  }
0x53: {  	[tilespmem:s20], [sflag:$0x4] =	stream.linear.gather [hbm4b:s30+s4], $0x80, $0x38;
	[tilespmem:$0x1E900] =	vst v63  }
0x54: {  	_ =	swait.ge [sflag:s23], $0x4000  }
0x55: {  	[sflag:s23] =	ssyncset.done $0x0  }
0x56: {  	s3 =	simm.s32 $0x16680;
	[sflag:s23] =	ssyncadd.s32 $0xFFFFC000  }
0x57: {  	[tilespmem:s24], [sflag:$0x2] =	stream.indirect.gather [hbm4b:s7+s21], $0x80, s3, s21, $0xb8;
	[tilespmem:$0x1E900] =	vst v63  }
0x58: {  	_ =	swait.ge [sflag:s25], $0x80  }
0x59: {  	[sflag:s25] =	ssyncset.done $0x0  }
0x5a: {  	[sflag:s25] =	ssyncadd.s32 $0xFFFFFF80  }
0x5b: {  	[spmem:s2] =	stream.indirect.scatter.add.f32 [tilespmem:s22], [sflag:$0x5], $0x80, s19, s21, $0xb8;
	[tilespmem:$0x1E900] =	vst v63  }
0x5c: {  	_ =	swait.ge [sflag:s15], $0x4000  }
0x5d: {  	[sflag:s15] =	ssyncset.done $0x0  }
0x5e: {  	[sflag:s15] =	ssyncadd.s32 $0xFFFFC000  }
0x5f: {  	[tilespmem:s19], [sflag:$0x3] =	stream.linear.gather [hbm4b:s13+s4], $0x80, $0x38;
	[tilespmem:$0x1E900] =	vst v63  }
0x60: {  	_ =	swait.ge [sflag:s26], $0x4000  }
0x61: {  	[sflag:s26] =	ssyncset.done $0x0  }
0x62: {  	s29 =	simm.s32 $0x16700;
	[sflag:s26] =	ssyncadd.s32 $0xFFFFC000  }
0x63: {  	[tilespmem:s22], [sflag:$0x1] =	stream.indirect.gather [hbm4b:s7+s21], $0x80, s29, s21, $0xb8;
	[tilespmem:$0x1E900] =	vst v63  }
0x64: {  	_ =	swait.ge [sflag:s28], $0x80  }
0x65: {  	[sflag:s28] =	ssyncset.done $0x0  }
0x66: {  	[sflag:s28] =	ssyncadd.s32 $0xFFFFFF80  }
0x67: {  	[spmem:s2] =	stream.indirect.scatter.add.f32 [tilespmem:s24], [sflag:$0x5], $0x80, s20, s21, $0xb8;
	[tilespmem:$0x1E900] =	vst v63  }
0x68: {  	_ =	swait.ge [sflag:s15], $0x4000  }
0x69: {  	[sflag:s15] =	ssyncset.done $0x0  }
0x6a: {  	[sflag:s15] =	ssyncadd.s32 $0xFFFFC000  }
0x6b: {  	[tilespmem:s20], [sflag:$0x4] =	stream.linear.gather [hbm4b:s12+s4], $0x80, $0x38;
	[tilespmem:$0x1E900] =	vst v63  }
0x6c: {  	_ =	swait.ge [sflag:s23], $0x4000  }
0x6d: {  	[sflag:s23] =	ssyncset.done $0x0  }
0x6e: {  	[sflag:s23] =	ssyncadd.s32 $0xFFFFC000  }
0x6f: {  	[tilespmem:s24], [sflag:$0x2] =	stream.indirect.gather [hbm4b:s7+s21], $0x80, s31, s21, $0xb8;
	[tilespmem:$0x1E900] =	vst v63  }
0x70: {  	_ =	swait.ge [sflag:s25], $0x80  }
0x71: {  	[sflag:s25] =	ssyncset.done $0x0  }
0x72: {  	[sflag:s25] =	ssyncadd.s32 $0xFFFFFF80  }
0x73: {  	[spmem:s2] =	stream.indirect.scatter.add.f32 [tilespmem:s22], [sflag:$0x5], $0x80, s19, s21, $0xb8;
	[tilespmem:$0x1E900] =	vst v63  }
0x74: {  	_ =	swait.ge [sflag:s15], $0x4000  }
0x75: {  	[sflag:s15] =	ssyncset.done $0x0  }
0x76: {  	[sflag:s15] =	ssyncadd.s32 $0xFFFFC000  }
0x77: {  	[tilespmem:s19], [sflag:$0x3] =	stream.linear.gather [hbm4b:s12+s4], $0x80, $0x38;
	[tilespmem:$0x1E900] =	vst v63  }
0x78: {  	_ =	swait.ge [sflag:s26], $0x4000  }
0x79: {  	[sflag:s26] =	ssyncset.done $0x0  }
0x7a: {  	[sflag:s26] =	ssyncadd.s32 $0xFFFFC000  }
0x7b: {  	[tilespmem:s22], [sflag:$0x1] =	stream.indirect.gather [hbm4b:s7+s21], $0x80, s31, s21, $0xb8;
	[tilespmem:$0x1E900] =	vst v63  }
0x7c: {  	_ =	swait.ge [sflag:s28], $0x80  }
0x7d: {  	[sflag:s28] =	ssyncset.done $0x0  }
0x7e: {  	[sflag:s28] =	ssyncadd.s32 $0xFFFFFF80  }
0x7f: {  	[spmem:s2] =	stream.indirect.scatter.add.f32 [tilespmem:s24], [sflag:$0x5], $0x80, s20, s21, $0xb8;
	[tilespmem:$0x1E900] =	vst v63  }
0x80: {  	_ =	swait.ge [sflag:s15], $0x4000  }
0x81: {  	[sflag:s15] =	ssyncset.done $0x0  }
0x82: {  	[sflag:s15] =	ssyncadd.s32 $0xFFFFC000  }
0x83: {  	[tilespmem:s20], [sflag:$0x4] =	stream.linear.gather [hbm4b:s12+s4], $0x80, $0x38;
	[tilespmem:$0x1E900] =	vst v63  }
0x84: {  	_ =	swait.ge [sflag:s23], $0x4000  }
0x85: {  	[sflag:s23] =	ssyncset.done $0x0  }
0x86: {  	[sflag:s23] =	ssyncadd.s32 $0xFFFFC000  }
0x87: {  	_ =	swait.ge [sflag:s25], $0x80  }
0x88: {  	[sflag:s25] =	ssyncset.done $0x0  }
0x89: {  	[sflag:s25] =	ssyncadd.s32 $0xFFFFFF80  }
0x8a: {  	_ =	swait.ge [sflag:s28], $0x80  }
0x8b: {  	[sflag:s28] =	ssyncset.done $0x0  }
0x8c: {  	s0 =	sadd.s32 $0x1, s0;
	[sflag:s28] =	ssyncadd.s32 $0xFFFFFF80  }
0x8d: {  	p0 =	sne.s32 s0, s11;
	[bflag:$0x0] =	sbarrier.arrive $0xFFFF  }
.Ltmp1:
0x8e: {  	s30 =	rddreg [dreg:$0x6];
	(pc) =	sbr.rel @p0 .LBB2_1-.Ltmp1, $4  }
0x8f: {  	[hbm:s30], [sflag:s17] =	dma.local [spmem:s18], $0x2800  }
0x90: {  	_ =	swait.ge [sflag:s15], $0x2800  }
0x91: {  	[sflag:s15] =	ssyncset.done $0x0  }
0x92: {  	[sflag:s15] =	ssyncadd.s32 $0xFFFFD800  }
0x93: {  	_ =	sfence.sel $0x180000  }
0x94: {  	[bflag:$0x0] =	sbarrier.arrive $0xFFFF  }
0x95: {  	_ =	strace $0x9000004A  }
0x96: {  	s0 =	stileid.u32;
	[bflag:$0x2] =	sbarrier.arrive $0xFFFF  }
0x97: {  	p0 =	sne.s32 s0, $0x0;
	s0 =	rddreg [dreg:$0x3]  }
0x98: {  	s0 =	sadd.s32 @!p0 $0x100000, s0  }
0x99: {  	[sflag:s0] =	ssyncadd.tile.s32 @!p0 $0x1;
	_ =	shalt  }
.Lfunc_end2:
_tile_overlayer_lowered:
.L_overlay_start_2:
0x9a: {  	(tag) =	ssettag $0x2  }
0x9b: {  	s0 =	rddreg [dreg:$0x0];
	s2 =	stileid.u32  }
0x9c: {  	s1 =	rddreg [dreg:$0x1];
	p0 =	sne.s32 s2, $0x0  }
0x9d: {  	s3 =	rddreg [dreg:$0x2];
	[bflag:$0x3] =	sbarrier.arrive $0xFFFF;
	s2 =	simm.s32 @!p0 $0x1C05  }
0x9e: {  	[timem:s3], [sflag:s2] =	dma.local @!p0 [hbm:s0], s1  }
0x9f: {  	s0 =	simm.s32 @!p0 $0x5  }
0xa0: {  	_ =	swait.ge @!p0 [sflag:s0], s1  }
0xa1: {  	s1 =	ssub.s32 @!p0 $0x0, s1;
	[sflag:s0] =	ssyncset.done @!p0 $0x0  }
0xa2: {  	[sflag:s0] =	ssyncadd.s32 @!p0 s1  }
0xa3: {  	[bflag:$0x3] =	sbarrier.arrive $0xFFFF  }
0xa4: {  	_ =	shalt  }

</sc_bundles>
